<compile_context>
chip_gen: v7x
topology: tpu7x:2x2x1
jax: 0.10.2.dev20260603
libtpu: 0.0.44.dev20260713+nightly
codegen_flags: <defaults>
</compile_context>

<pallas_src>
import functools

import jax
import jax.numpy as jnp
from jax import lax
from jax.experimental import pallas as pl
from jax.experimental.pallas import tpu as pltpu
from jax.experimental.pallas import tpu_sc as plsc

_B, _G, _K, _D = 16384, 4, 512, 64
_BETA = 0.25
_BT = 512

_NW = 32
_ROWS_PER_W = _B // _NW
_CHUNK = 256


def _vq_body(x_ref, p_ref, gidx_ref, loss_ref, dists_ref):
    i = pl.program_id(0)

    @pl.when(i == 0)
    def _init():
        loss_ref[0, 0] = jnp.float32(0.0)

    acc = jnp.float32(0.0)
    for g in range(_G):
        x = x_ref[:, g * _D:(g + 1) * _D]
        p = p_ref[g]
        xx = jnp.sum(x * x, axis=1, keepdims=True)
        pp = jnp.sum(p * p, axis=1)
        xp = jax.lax.dot_general(
            x, p, (((1,), (1,)), ((), ())),
            preferred_element_type=jnp.float32)
        d = xx - 2.0 * xp + pp[None, :]
        dists_ref[g] = d
        min_d = jnp.min(d, axis=1, keepdims=True)
        iota_k = jax.lax.broadcasted_iota(jnp.int32, (_BT, _K), 1)
        ind = jnp.min(jnp.where(d == min_d, iota_k, _K), axis=1)
        gidx_ref[g, :] = ind + g * _K
        acc += jnp.sum(min_d)

    scale = jnp.float32((1.0 + _BETA) / (_G * _B * _D))
    loss_ref[0, 0] += acc * scale


def _sc_gather(protos_ref, gidx_ref, recon_ref, idx_v, rows_v, sem):
    wid = lax.axis_index("s") * 2 + lax.axis_index("c")
    base = wid * _ROWS_PER_W
    for g in range(_G):
        for c in range(_ROWS_PER_W // _CHUNK):
            b0 = base + c * _CHUNK
            pltpu.sync_copy(gidx_ref.at[pl.ds(g * _B + b0, _CHUNK)], idx_v)
            pltpu.async_copy(protos_ref.at[idx_v], rows_v, sem).wait()
            pltpu.sync_copy(rows_v, recon_ref.at[pl.ds(b0, _CHUNK), g])


@jax.jit
def kernel(latents, protos):
    n_tiles = _B // _BT
    x2d = latents.reshape(_B, _G * _D)
    gidx, loss, dists = pl.pallas_call(
        _vq_body,
        grid=(n_tiles,),
        in_specs=[
            pl.BlockSpec((_BT, _G * _D), lambda i: (i, 0)),
            pl.BlockSpec((_G, _K, _D), lambda i: (0, 0, 0)),
        ],
        out_specs=[
            pl.BlockSpec((_G, _BT), lambda i: (0, i)),
            pl.BlockSpec(memory_space=pltpu.SMEM),
            pl.BlockSpec((_G, _BT, _K), lambda i: (0, i, 0)),
        ],
        out_shape=[
            jax.ShapeDtypeStruct((_G, _B), jnp.int32),
            jax.ShapeDtypeStruct((1, 1), jnp.float32),
            jax.ShapeDtypeStruct((_G, _B, _K), jnp.float32),
        ],
    )(x2d, protos)

    sc_fn = functools.partial(
        pl.kernel,
        mesh=plsc.VectorSubcoreMesh(core_axis_name="c", subcore_axis_name="s"),
        compiler_params=pltpu.CompilerParams(use_tc_tiling_on_sc=False),
        out_type=jax.ShapeDtypeStruct((_B, _G, _D), jnp.float32),
        scratch_types=[
            pltpu.VMEM((_CHUNK,), jnp.int32),
            pltpu.VMEM((_CHUNK, _D), jnp.float32),
            pltpu.SemaphoreType.DMA,
        ],
    )(_sc_gather)
    recon = sc_fn(protos.reshape(_G * _K, _D), gidx.reshape(_G * _B))
    return recon, loss[0, 0], dists

# --- scband reference (transcript-rebuilt; emitter-appended) ---
"""Pipeline reference for scband-vector-quantization-layer-41772851921059 (READ-ONLY COPY).

The authoritative reference and input builder live on the scoring server;
editing this copy changes nothing except your own understanding.
"""

import jax, jax.numpy as jnp
import numpy as np

B, G, K, D = 16384, 4, 512, 64
BETA = 0.25

def list_of_distances(x, p):
    # x: [B, d], p: [K, d] -> squared euclidean distances [B, K]
    return jnp.sum(x * x, axis=1, keepdims=True) - 2.0 * (x @ p.T) + jnp.sum(p * p, axis=1)[None, :]

def setup_inputs(seed: int = 0) -> dict:
    key = jax.random.key(seed)
    k1, k2 = jax.random.split(key)
    latents = jax.random.normal(k1, (B, G, D), dtype=jnp.float32)
    # xavier_uniform_ on each [K, D] prototype matrix: bound = sqrt(6/(K+D))
    bound = float(np.sqrt(6.0 / (K + D)))
    protos = jax.random.uniform(k2, (G, K, D), minval=-bound, maxval=bound, dtype=jnp.float32)
    return {"latents": latents, "protos": protos}

def reference(latents, protos):
    commitment_loss = jnp.float32(0.0)
    embedding_loss = jnp.float32(0.0)
    recon_parts = []
    dists_parts = []
    n_groups = protos.shape[0]
    for k in range(n_groups):
        x = latents[:, k]  # [B, D]
        d = list_of_distances(x, protos[k])  # [B, K]
        dists_parts.append(d)
        encoding_inds = jnp.argmin(d, axis=1)  # [B]
        one_hot = jax.nn.one_hot(encoding_inds, protos.shape[1], dtype=latents.dtype)  # [B, K]
        quantized = one_hot @ protos[k]  # [B, D]
        commitment_loss = commitment_loss + jnp.mean((jax.lax.stop_gradient(quantized) - x) ** 2)
        embedding_loss = embedding_loss + jnp.mean((quantized - jax.lax.stop_gradient(x)) ** 2)
        recon_parts.append(x + jax.lax.stop_gradient(quantized - x))
    quantized_latents_recon = jnp.stack(recon_parts, axis=1)  # [B, G, D]
    vq_loss = (commitment_loss * BETA + embedding_loss) / n_groups
    dists = jnp.stack(dists_parts, axis=0)  # [G, B, K]
    return quantized_latents_recon, vq_loss, dists

if __name__ == "__main__":
    import jax
    _d = setup_inputs()
    print(jax.jit(kernel)(*tuple(_d.values())))

</pallas_src>

<mosaic_0001>
#map = affine_map<(d0, d1) -> (0, 0)>
#map1 = affine_map<(d0, d1) -> (0)>
#map2 = affine_map<(d0, d1) -> (0, 0, 0)>
module attributes {stable_mosaic.version = 14 : i64} {
  func.func @_sc_gather(%arg0: i32, %arg1: i32, %arg2: memref<2048x64xf32, #tpu.memory_space<hbm>>, %arg3: memref<65536xi32, #tpu.memory_space<hbm>>, %arg4: memref<16384x4x64xf32, #tpu.memory_space<hbm>>, %arg5: memref<256xi32, #tpu.memory_space<vmem>>, %arg6: memref<256x64xf32, #tpu.memory_space<vmem>>, %arg7: memref<!tpu.dma_semaphore, #tpu.memory_space<semaphore_mem>>) attributes {dimension_semantics = [#tpu.dimension_semantics<core_parallel>, #tpu.dimension_semantics<subcore_parallel>], iteration_bounds = array<i64: 2, 16>, scalar_prefetch = 0 : i64, scratch_operands = 3 : i64, tpu.core_type = #tpu.core_type<sc_vector_subcore>, window_params = [{transform_indices = #map}, {transform_indices = #map1}, {transform_indices = #map2}]} {
    %mul3A = arith.constant 2 : i32
    %mul3A_0 = arith.muli %arg1, %mul3A : i32
    %add3A = arith.addi %mul3A_0, %arg0 : i32
    %mul3A_1 = arith.constant 512 : i32
    %mul3A_2 = arith.muli %add3A, %mul3A_1 : i32
    %add3A_3 = arith.constant 0 : i32
    %add3A_4 = arith.addi %mul3A_2, %add3A_3 : i32
    %add3A_5 = arith.constant 0 : i32
    %add3A_6 = arith.addi %add3A_5, %add3A_4 : i32
    "tpu.region"() ({
      %run_scoped3A_88 = tpu.sem_alloc : memref<!tpu.dma_semaphore, #tpu.memory_space<semaphore_mem>>
      %dma_start3A_89 = tpu.memref_slice %arg3[%add3A_6] : memref<65536xi32, #tpu.memory_space<hbm>> -> memref<256xi32, #tpu.memory_space<hbm>>
      %dma_start3A_90 = tpu.memref_slice %arg3[%add3A_6] : memref<65536xi32, #tpu.memory_space<hbm>> -> memref<256xi32, #tpu.memory_space<hbm>>
      tpu.enqueue_dma source(%dma_start3A_90 : memref<256xi32, #tpu.memory_space<hbm>>) target(%arg5 : memref<256xi32, #tpu.memory_space<vmem>>) target_semaphore(%run_scoped3A_88 : memref<!tpu.dma_semaphore, #tpu.memory_space<semaphore_mem>>)
      %dma_wait3A_91 = tpu.memref_slice %arg3[%add3A_6] : memref<65536xi32, #tpu.memory_space<hbm>> -> memref<256xi32, #tpu.memory_space<hbm>>
      %dma_wait3A_92 = tpu.memref_slice %arg3[%add3A_6] : memref<65536xi32, #tpu.memory_space<hbm>> -> memref<256xi32, #tpu.memory_space<hbm>>
      tpu.wait_dma2 semaphore(%run_scoped3A_88 : memref<!tpu.dma_semaphore, #tpu.memory_space<semaphore_mem>>) src(%dma_wait3A_92 : memref<256xi32, #tpu.memory_space<hbm>>) dst(%arg5 : memref<256xi32, #tpu.memory_space<vmem>>)
      tpu.yield
    }) : () -> ()
    %dma_start3A = arith.constant 0 : i32
    %dma_start3A_7 = arith.constant 0 : i32
    %dma_start3A_8 = tpu.memref_slice %arg2[%dma_start3A, %dma_start3A_7] : memref<2048x64xf32, #tpu.memory_space<hbm>> -> memref<2048x64xf32, #tpu.memory_space<hbm>>
    tpu.enqueue_indirect_dma source(%dma_start3A_8 : memref<2048x64xf32, #tpu.memory_space<hbm>>) target(%arg6 : memref<256x64xf32, #tpu.memory_space<vmem>>) offsets(%arg5 : memref<256xi32, #tpu.memory_space<vmem>>) semaphore(%arg7 : memref<!tpu.dma_semaphore, #tpu.memory_space<semaphore_mem>>)
    %dma_wait3A = arith.constant 0 : i32
    %dma_wait3A_9 = arith.constant 0 : i32
    %dma_wait3A_10 = tpu.memref_slice %arg2[%dma_wait3A, %dma_wait3A_9] : memref<2048x64xf32, #tpu.memory_space<hbm>> -> memref<2048x64xf32, #tpu.memory_space<hbm>>
    tpu.wait_indirect_dma semaphore(%arg7 : memref<!tpu.dma_semaphore, #tpu.memory_space<semaphore_mem>>) src(%dma_wait3A_10 : memref<2048x64xf32, #tpu.memory_space<hbm>>) dst(%arg6 : memref<256x64xf32, #tpu.memory_space<vmem>>)
    %run_scoped3A = arith.constant 0 : i32
    "tpu.region"() ({
      %run_scoped3A_88 = tpu.sem_alloc : memref<!tpu.dma_semaphore, #tpu.memory_space<semaphore_mem>>
      %dma_start3A_89 = arith.constant 0 : i32
      %dma_start3A_90 = tpu.memref_slice %arg4[%add3A_4, %run_scoped3A, %dma_start3A_89] : memref<16384x4x64xf32, #tpu.memory_space<hbm>> -> memref<256x1x64xf32, #tpu.memory_space<hbm>>
      %dma_start3A_91 = tpu.memref_squeeze %dma_start3A_90 : memref<256x1x64xf32, #tpu.memory_space<hbm>> -> memref<256x64xf32, #tpu.memory_space<hbm>>
      %dma_start3A_92 = arith.constant 0 : i32
      %dma_start3A_93 = tpu.memref_slice %arg4[%add3A_4, %run_scoped3A, %dma_start3A_92] : memref<16384x4x64xf32, #tpu.memory_space<hbm>> -> memref<256x1x64xf32, #tpu.memory_space<hbm>>
      %dma_start3A_94 = tpu.memref_squeeze %dma_start3A_93 : memref<256x1x64xf32, #tpu.memory_space<hbm>> -> memref<256x64xf32, #tpu.memory_space<hbm>>
      tpu.enqueue_dma source(%arg6 : memref<256x64xf32, #tpu.memory_space<vmem>>) target(%dma_start3A_94 : memref<256x64xf32, #tpu.memory_space<hbm>>) target_semaphore(%run_scoped3A_88 : memref<!tpu.dma_semaphore, #tpu.memory_space<semaphore_mem>>)
      %dma_wait3A_95 = arith.constant 0 : i32
      %dma_wait3A_96 = tpu.memref_slice %arg4[%add3A_4, %run_scoped3A, %dma_wait3A_95] : memref<16384x4x64xf32, #tpu.memory_space<hbm>> -> memref<256x1x64xf32, #tpu.memory_space<hbm>>
      %dma_wait3A_97 = tpu.memref_squeeze %dma_wait3A_96 : memref<256x1x64xf32, #tpu.memory_space<hbm>> -> memref<256x64xf32, #tpu.memory_space<hbm>>
      %dma_wait3A_98 = arith.constant 0 : i32
      %dma_wait3A_99 = tpu.memref_slice %arg4[%add3A_4, %run_scoped3A, %dma_wait3A_98] : memref<16384x4x64xf32, #tpu.memory_space<hbm>> -> memref<256x1x64xf32, #tpu.memory_space<hbm>>
      %dma_wait3A_100 = tpu.memref_squeeze %dma_wait3A_99 : memref<256x1x64xf32, #tpu.memory_space<hbm>> -> memref<256x64xf32, #tpu.memory_space<hbm>>
      tpu.wait_dma2 semaphore(%run_scoped3A_88 : memref<!tpu.dma_semaphore, #tpu.memory_space<semaphore_mem>>) src(%arg6 : memref<256x64xf32, #tpu.memory_space<vmem>>) dst(%dma_wait3A_100 : memref<256x64xf32, #tpu.memory_space<hbm>>)
      tpu.yield
    }) : () -> ()
    %add3A_11 = arith.constant 256 : i32
    %add3A_12 = arith.addi %mul3A_2, %add3A_11 : i32
    %add3A_13 = arith.constant 0 : i32
    %add3A_14 = arith.addi %add3A_13, %add3A_12 : i32
    "tpu.region"() ({
      %run_scoped3A_88 = tpu.sem_alloc : memref<!tpu.dma_semaphore, #tpu.memory_space<semaphore_mem>>
      %dma_start3A_89 = tpu.memref_slice %arg3[%add3A_14] : memref<65536xi32, #tpu.memory_space<hbm>> -> memref<256xi32, #tpu.memory_space<hbm>>
      %dma_start3A_90 = tpu.memref_slice %arg3[%add3A_14] : memref<65536xi32, #tpu.memory_space<hbm>> -> memref<256xi32, #tpu.memory_space<hbm>>
      tpu.enqueue_dma source(%dma_start3A_90 : memref<256xi32, #tpu.memory_space<hbm>>) target(%arg5 : memref<256xi32, #tpu.memory_space<vmem>>) target_semaphore(%run_scoped3A_88 : memref<!tpu.dma_semaphore, #tpu.memory_space<semaphore_mem>>)
      %dma_wait3A_91 = tpu.memref_slice %arg3[%add3A_14] : memref<65536xi32, #tpu.memory_space<hbm>> -> memref<256xi32, #tpu.memory_space<hbm>>
      %dma_wait3A_92 = tpu.memref_slice %arg3[%add3A_14] : memref<65536xi32, #tpu.memory_space<hbm>> -> memref<256xi32, #tpu.memory_space<hbm>>
      tpu.wait_dma2 semaphore(%run_scoped3A_88 : memref<!tpu.dma_semaphore, #tpu.memory_space<semaphore_mem>>) src(%dma_wait3A_92 : memref<256xi32, #tpu.memory_space<hbm>>) dst(%arg5 : memref<256xi32, #tpu.memory_space<vmem>>)
      tpu.yield
    }) : () -> ()
    %dma_start3A_15 = arith.constant 0 : i32
    %dma_start3A_16 = arith.constant 0 : i32
    %dma_start3A_17 = tpu.memref_slice %arg2[%dma_start3A_15, %dma_start3A_16] : memref<2048x64xf32, #tpu.memory_space<hbm>> -> memref<2048x64xf32, #tpu.memory_space<hbm>>
    tpu.enqueue_indirect_dma source(%dma_start3A_17 : memref<2048x64xf32, #tpu.memory_space<hbm>>) target(%arg6 : memref<256x64xf32, #tpu.memory_space<vmem>>) offsets(%arg5 : memref<256xi32, #tpu.memory_space<vmem>>) semaphore(%arg7 : memref<!tpu.dma_semaphore, #tpu.memory_space<semaphore_mem>>)
    %dma_wait3A_18 = arith.constant 0 : i32
    %dma_wait3A_19 = arith.constant 0 : i32
    %dma_wait3A_20 = tpu.memref_slice %arg2[%dma_wait3A_18, %dma_wait3A_19] : memref<2048x64xf32, #tpu.memory_space<hbm>> -> memref<2048x64xf32, #tpu.memory_space<hbm>>
    tpu.wait_indirect_dma semaphore(%arg7 : memref<!tpu.dma_semaphore, #tpu.memory_space<semaphore_mem>>) src(%dma_wait3A_20 : memref<2048x64xf32, #tpu.memory_space<hbm>>) dst(%arg6 : memref<256x64xf32, #tpu.memory_space<vmem>>)
    %run_scoped3A_21 = arith.constant 0 : i32
    "tpu.region"() ({
      %run_scoped3A_88 = tpu.sem_alloc : memref<!tpu.dma_semaphore, #tpu.memory_space<semaphore_mem>>
      %dma_start3A_89 = arith.constant 0 : i32
      %dma_start3A_90 = tpu.memref_slice %arg4[%add3A_12, %run_scoped3A_21, %dma_start3A_89] : memref<16384x4x64xf32, #tpu.memory_space<hbm>> -> memref<256x1x64xf32, #tpu.memory_space<hbm>>
      %dma_start3A_91 = tpu.memref_squeeze %dma_start3A_90 : memref<256x1x64xf32, #tpu.memory_space<hbm>> -> memref<256x64xf32, #tpu.memory_space<hbm>>
      %dma_start3A_92 = arith.constant 0 : i32
      %dma_start3A_93 = tpu.memref_slice %arg4[%add3A_12, %run_scoped3A_21, %dma_start3A_92] : memref<16384x4x64xf32, #tpu.memory_space<hbm>> -> memref<256x1x64xf32, #tpu.memory_space<hbm>>
      %dma_start3A_94 = tpu.memref_squeeze %dma_start3A_93 : memref<256x1x64xf32, #tpu.memory_space<hbm>> -> memref<256x64xf32, #tpu.memory_space<hbm>>
      tpu.enqueue_dma source(%arg6 : memref<256x64xf32, #tpu.memory_space<vmem>>) target(%dma_start3A_94 : memref<256x64xf32, #tpu.memory_space<hbm>>) target_semaphore(%run_scoped3A_88 : memref<!tpu.dma_semaphore, #tpu.memory_space<semaphore_mem>>)
      %dma_wait3A_95 = arith.constant 0 : i32
      %dma_wait3A_96 = tpu.memref_slice %arg4[%add3A_12, %run_scoped3A_21, %dma_wait3A_95] : memref<16384x4x64xf32, #tpu.memory_space<hbm>> -> memref<256x1x64xf32, #tpu.memory_space<hbm>>
      %dma_wait3A_97 = tpu.memref_squeeze %dma_wait3A_96 : memref<256x1x64xf32, #tpu.memory_space<hbm>> -> memref<256x64xf32, #tpu.memory_space<hbm>>
      %dma_wait3A_98 = arith.constant 0 : i32
      %dma_wait3A_99 = tpu.memref_slice %arg4[%add3A_12, %run_scoped3A_21, %dma_wait3A_98] : memref<16384x4x64xf32, #tpu.memory_space<hbm>> -> memref<256x1x64xf32, #tpu.memory_space<hbm>>
      %dma_wait3A_100 = tpu.memref_squeeze %dma_wait3A_99 : memref<256x1x64xf32, #tpu.memory_space<hbm>> -> memref<256x64xf32, #tpu.memory_space<hbm>>
      tpu.wait_dma2 semaphore(%run_scoped3A_88 : memref<!tpu.dma_semaphore, #tpu.memory_space<semaphore_mem>>) src(%arg6 : memref<256x64xf32, #tpu.memory_space<vmem>>) dst(%dma_wait3A_100 : memref<256x64xf32, #tpu.memory_space<hbm>>)
      tpu.yield
    }) : () -> ()
    %add3A_22 = arith.constant 0 : i32
    %add3A_23 = arith.addi %mul3A_2, %add3A_22 : i32
    %add3A_24 = arith.constant 16384 : i32
    %add3A_25 = arith.addi %add3A_24, %add3A_23 : i32
    "tpu.region"() ({
      %run_scoped3A_88 = tpu.sem_alloc : memref<!tpu.dma_semaphore, #tpu.memory_space<semaphore_mem>>
      %dma_start3A_89 = tpu.memref_slice %arg3[%add3A_25] : memref<65536xi32, #tpu.memory_space<hbm>> -> memref<256xi32, #tpu.memory_space<hbm>>
      %dma_start3A_90 = tpu.memref_slice %arg3[%add3A_25] : memref<65536xi32, #tpu.memory_space<hbm>> -> memref<256xi32, #tpu.memory_space<hbm>>
      tpu.enqueue_dma source(%dma_start3A_90 : memref<256xi32, #tpu.memory_space<hbm>>) target(%arg5 : memref<256xi32, #tpu.memory_space<vmem>>) target_semaphore(%run_scoped3A_88 : memref<!tpu.dma_semaphore, #tpu.memory_space<semaphore_mem>>)
      %dma_wait3A_91 = tpu.memref_slice %arg3[%add3A_25] : memref<65536xi32, #tpu.memory_space<hbm>> -> memref<256xi32, #tpu.memory_space<hbm>>
      %dma_wait3A_92 = tpu.memref_slice %arg3[%add3A_25] : memref<65536xi32, #tpu.memory_space<hbm>> -> memref<256xi32, #tpu.memory_space<hbm>>
      tpu.wait_dma2 semaphore(%run_scoped3A_88 : memref<!tpu.dma_semaphore, #tpu.memory_space<semaphore_mem>>) src(%dma_wait3A_92 : memref<256xi32, #tpu.memory_space<hbm>>) dst(%arg5 : memref<256xi32, #tpu.memory_space<vmem>>)
      tpu.yield
    }) : () -> ()
    %dma_start3A_26 = arith.constant 0 : i32
    %dma_start3A_27 = arith.constant 0 : i32
    %dma_start3A_28 = tpu.memref_slice %arg2[%dma_start3A_26, %dma_start3A_27] : memref<2048x64xf32, #tpu.memory_space<hbm>> -> memref<2048x64xf32, #tpu.memory_space<hbm>>
    tpu.enqueue_indirect_dma source(%dma_start3A_28 : memref<2048x64xf32, #tpu.memory_space<hbm>>) target(%arg6 : memref<256x64xf32, #tpu.memory_space<vmem>>) offsets(%arg5 : memref<256xi32, #tpu.memory_space<vmem>>) semaphore(%arg7 : memref<!tpu.dma_semaphore, #tpu.memory_space<semaphore_mem>>)
    %dma_wait3A_29 = arith.constant 0 : i32
    %dma_wait3A_30 = arith.constant 0 : i32
    %dma_wait3A_31 = tpu.memref_slice %arg2[%dma_wait3A_29, %dma_wait3A_30] : memref<2048x64xf32, #tpu.memory_space<hbm>> -> memref<2048x64xf32, #tpu.memory_space<hbm>>
    tpu.wait_indirect_dma semaphore(%arg7 : memref<!tpu.dma_semaphore, #tpu.memory_space<semaphore_mem>>) src(%dma_wait3A_31 : memref<2048x64xf32, #tpu.memory_space<hbm>>) dst(%arg6 : memref<256x64xf32, #tpu.memory_space<vmem>>)
    %run_scoped3A_32 = arith.constant 1 : i32
    "tpu.region"() ({
      %run_scoped3A_88 = tpu.sem_alloc : memref<!tpu.dma_semaphore, #tpu.memory_space<semaphore_mem>>
      %dma_start3A_89 = arith.constant 0 : i32
      %dma_start3A_90 = tpu.memref_slice %arg4[%add3A_23, %run_scoped3A_32, %dma_start3A_89] : memref<16384x4x64xf32, #tpu.memory_space<hbm>> -> memref<256x1x64xf32, #tpu.memory_space<hbm>>
      %dma_start3A_91 = tpu.memref_squeeze %dma_start3A_90 : memref<256x1x64xf32, #tpu.memory_space<hbm>> -> memref<256x64xf32, #tpu.memory_space<hbm>>
      %dma_start3A_92 = arith.constant 0 : i32
      %dma_start3A_93 = tpu.memref_slice %arg4[%add3A_23, %run_scoped3A_32, %dma_start3A_92] : memref<16384x4x64xf32, #tpu.memory_space<hbm>> -> memref<256x1x64xf32, #tpu.memory_space<hbm>>
      %dma_start3A_94 = tpu.memref_squeeze %dma_start3A_93 : memref<256x1x64xf32, #tpu.memory_space<hbm>> -> memref<256x64xf32, #tpu.memory_space<hbm>>
      tpu.enqueue_dma source(%arg6 : memref<256x64xf32, #tpu.memory_space<vmem>>) target(%dma_start3A_94 : memref<256x64xf32, #tpu.memory_space<hbm>>) target_semaphore(%run_scoped3A_88 : memref<!tpu.dma_semaphore, #tpu.memory_space<semaphore_mem>>)
      %dma_wait3A_95 = arith.constant 0 : i32
      %dma_wait3A_96 = tpu.memref_slice %arg4[%add3A_23, %run_scoped3A_32, %dma_wait3A_95] : memref<16384x4x64xf32, #tpu.memory_space<hbm>> -> memref<256x1x64xf32, #tpu.memory_space<hbm>>
      %dma_wait3A_97 = tpu.memref_squeeze %dma_wait3A_96 : memref<256x1x64xf32, #tpu.memory_space<hbm>> -> memref<256x64xf32, #tpu.memory_space<hbm>>
      %dma_wait3A_98 = arith.constant 0 : i32
      %dma_wait3A_99 = tpu.memref_slice %arg4[%add3A_23, %run_scoped3A_32, %dma_wait3A_98] : memref<16384x4x64xf32, #tpu.memory_space<hbm>> -> memref<256x1x64xf32, #tpu.memory_space<hbm>>
      %dma_wait3A_100 = tpu.memref_squeeze %dma_wait3A_99 : memref<256x1x64xf32, #tpu.memory_space<hbm>> -> memref<256x64xf32, #tpu.memory_space<hbm>>
      tpu.wait_dma2 semaphore(%run_scoped3A_88 : memref<!tpu.dma_semaphore, #tpu.memory_space<semaphore_mem>>) src(%arg6 : memref<256x64xf32, #tpu.memory_space<vmem>>) dst(%dma_wait3A_100 : memref<256x64xf32, #tpu.memory_space<hbm>>)
      tpu.yield
    }) : () -> ()
    %add3A_33 = arith.constant 256 : i32
    %add3A_34 = arith.addi %mul3A_2, %add3A_33 : i32
    %add3A_35 = arith.constant 16384 : i32
    %add3A_36 = arith.addi %add3A_35, %add3A_34 : i32
    "tpu.region"() ({
      %run_scoped3A_88 = tpu.sem_alloc : memref<!tpu.dma_semaphore, #tpu.memory_space<semaphore_mem>>
      %dma_start3A_89 = tpu.memref_slice %arg3[%add3A_36] : memref<65536xi32, #tpu.memory_space<hbm>> -> memref<256xi32, #tpu.memory_space<hbm>>
      %dma_start3A_90 = tpu.memref_slice %arg3[%add3A_36] : memref<65536xi32, #tpu.memory_space<hbm>> -> memref<256xi32, #tpu.memory_space<hbm>>
      tpu.enqueue_dma source(%dma_start3A_90 : memref<256xi32, #tpu.memory_space<hbm>>) target(%arg5 : memref<256xi32, #tpu.memory_space<vmem>>) target_semaphore(%run_scoped3A_88 : memref<!tpu.dma_semaphore, #tpu.memory_space<semaphore_mem>>)
      %dma_wait3A_91 = tpu.memref_slice %arg3[%add3A_36] : memref<65536xi32, #tpu.memory_space<hbm>> -> memref<256xi32, #tpu.memory_space<hbm>>
      %dma_wait3A_92 = tpu.memref_slice %arg3[%add3A_36] : memref<65536xi32, #tpu.memory_space<hbm>> -> memref<256xi32, #tpu.memory_space<hbm>>
      tpu.wait_dma2 semaphore(%run_scoped3A_88 : memref<!tpu.dma_semaphore, #tpu.memory_space<semaphore_mem>>) src(%dma_wait3A_92 : memref<256xi32, #tpu.memory_space<hbm>>) dst(%arg5 : memref<256xi32, #tpu.memory_space<vmem>>)
      tpu.yield
    }) : () -> ()
    %dma_start3A_37 = arith.constant 0 : i32
    %dma_start3A_38 = arith.constant 0 : i32
    %dma_start3A_39 = tpu.memref_slice %arg2[%dma_start3A_37, %dma_start3A_38] : memref<2048x64xf32, #tpu.memory_space<hbm>> -> memref<2048x64xf32, #tpu.memory_space<hbm>>
    tpu.enqueue_indirect_dma source(%dma_start3A_39 : memref<2048x64xf32, #tpu.memory_space<hbm>>) target(%arg6 : memref<256x64xf32, #tpu.memory_space<vmem>>) offsets(%arg5 : memref<256xi32, #tpu.memory_space<vmem>>) semaphore(%arg7 : memref<!tpu.dma_semaphore, #tpu.memory_space<semaphore_mem>>)
    %dma_wait3A_40 = arith.constant 0 : i32
    %dma_wait3A_41 = arith.constant 0 : i32
    %dma_wait3A_42 = tpu.memref_slice %arg2[%dma_wait3A_40, %dma_wait3A_41] : memref<2048x64xf32, #tpu.memory_space<hbm>> -> memref<2048x64xf32, #tpu.memory_space<hbm>>
    tpu.wait_indirect_dma semaphore(%arg7 : memref<!tpu.dma_semaphore, #tpu.memory_space<semaphore_mem>>) src(%dma_wait3A_42 : memref<2048x64xf32, #tpu.memory_space<hbm>>) dst(%arg6 : memref<256x64xf32, #tpu.memory_space<vmem>>)
    %run_scoped3A_43 = arith.constant 1 : i32
    "tpu.region"() ({
      %run_scoped3A_88 = tpu.sem_alloc : memref<!tpu.dma_semaphore, #tpu.memory_space<semaphore_mem>>
      %dma_start3A_89 = arith.constant 0 : i32
      %dma_start3A_90 = tpu.memref_slice %arg4[%add3A_34, %run_scoped3A_43, %dma_start3A_89] : memref<16384x4x64xf32, #tpu.memory_space<hbm>> -> memref<256x1x64xf32, #tpu.memory_space<hbm>>
      %dma_start3A_91 = tpu.memref_squeeze %dma_start3A_90 : memref<256x1x64xf32, #tpu.memory_space<hbm>> -> memref<256x64xf32, #tpu.memory_space<hbm>>
      %dma_start3A_92 = arith.constant 0 : i32
      %dma_start3A_93 = tpu.memref_slice %arg4[%add3A_34, %run_scoped3A_43, %dma_start3A_92] : memref<16384x4x64xf32, #tpu.memory_space<hbm>> -> memref<256x1x64xf32, #tpu.memory_space<hbm>>
      %dma_start3A_94 = tpu.memref_squeeze %dma_start3A_93 : memref<256x1x64xf32, #tpu.memory_space<hbm>> -> memref<256x64xf32, #tpu.memory_space<hbm>>
      tpu.enqueue_dma source(%arg6 : memref<256x64xf32, #tpu.memory_space<vmem>>) target(%dma_start3A_94 : memref<256x64xf32, #tpu.memory_space<hbm>>) target_semaphore(%run_scoped3A_88 : memref<!tpu.dma_semaphore, #tpu.memory_space<semaphore_mem>>)
      %dma_wait3A_95 = arith.constant 0 : i32
      %dma_wait3A_96 = tpu.memref_slice %arg4[%add3A_34, %run_scoped3A_43, %dma_wait3A_95] : memref<16384x4x64xf32, #tpu.memory_space<hbm>> -> memref<256x1x64xf32, #tpu.memory_space<hbm>>
      %dma_wait3A_97 = tpu.memref_squeeze %dma_wait3A_96 : memref<256x1x64xf32, #tpu.memory_space<hbm>> -> memref<256x64xf32, #tpu.memory_space<hbm>>
      %dma_wait3A_98 = arith.constant 0 : i32
      %dma_wait3A_99 = tpu.memref_slice %arg4[%add3A_34, %run_scoped3A_43, %dma_wait3A_98] : memref<16384x4x64xf32, #tpu.memory_space<hbm>> -> memref<256x1x64xf32, #tpu.memory_space<hbm>>
      %dma_wait3A_100 = tpu.memref_squeeze %dma_wait3A_99 : memref<256x1x64xf32, #tpu.memory_space<hbm>> -> memref<256x64xf32, #tpu.memory_space<hbm>>
      tpu.wait_dma2 semaphore(%run_scoped3A_88 : memref<!tpu.dma_semaphore, #tpu.memory_space<semaphore_mem>>) src(%arg6 : memref<256x64xf32, #tpu.memory_space<vmem>>) dst(%dma_wait3A_100 : memref<256x64xf32, #tpu.memory_space<hbm>>)
      tpu.yield
    }) : () -> ()
    %add3A_44 = arith.constant 0 : i32
    %add3A_45 = arith.addi %mul3A_2, %add3A_44 : i32
    %add3A_46 = arith.constant 32768 : i32
    %add3A_47 = arith.addi %add3A_46, %add3A_45 : i32
    "tpu.region"() ({
      %run_scoped3A_88 = tpu.sem_alloc : memref<!tpu.dma_semaphore, #tpu.memory_space<semaphore_mem>>
      %dma_start3A_89 = tpu.memref_slice %arg3[%add3A_47] : memref<65536xi32, #tpu.memory_space<hbm>> -> memref<256xi32, #tpu.memory_space<hbm>>
      %dma_start3A_90 = tpu.memref_slice %arg3[%add3A_47] : memref<65536xi32, #tpu.memory_space<hbm>> -> memref<256xi32, #tpu.memory_space<hbm>>
      tpu.enqueue_dma source(%dma_start3A_90 : memref<256xi32, #tpu.memory_space<hbm>>) target(%arg5 : memref<256xi32, #tpu.memory_space<vmem>>) target_semaphore(%run_scoped3A_88 : memref<!tpu.dma_semaphore, #tpu.memory_space<semaphore_mem>>)
      %dma_wait3A_91 = tpu.memref_slice %arg3[%add3A_47] : memref<65536xi32, #tpu.memory_space<hbm>> -> memref<256xi32, #tpu.memory_space<hbm>>
      %dma_wait3A_92 = tpu.memref_slice %arg3[%add3A_47] : memref<65536xi32, #tpu.memory_space<hbm>> -> memref<256xi32, #tpu.memory_space<hbm>>
      tpu.wait_dma2 semaphore(%run_scoped3A_88 : memref<!tpu.dma_semaphore, #tpu.memory_space<semaphore_mem>>) src(%dma_wait3A_92 : memref<256xi32, #tpu.memory_space<hbm>>) dst(%arg5 : memref<256xi32, #tpu.memory_space<vmem>>)
      tpu.yield
    }) : () -> ()
    %dma_start3A_48 = arith.constant 0 : i32
    %dma_start3A_49 = arith.constant 0 : i32
    %dma_start3A_50 = tpu.memref_slice %arg2[%dma_start3A_48, %dma_start3A_49] : memref<2048x64xf32, #tpu.memory_space<hbm>> -> memref<2048x64xf32, #tpu.memory_space<hbm>>
    tpu.enqueue_indirect_dma source(%dma_start3A_50 : memref<2048x64xf32, #tpu.memory_space<hbm>>) target(%arg6 : memref<256x64xf32, #tpu.memory_space<vmem>>) offsets(%arg5 : memref<256xi32, #tpu.memory_space<vmem>>) semaphore(%arg7 : memref<!tpu.dma_semaphore, #tpu.memory_space<semaphore_mem>>)
    %dma_wait3A_51 = arith.constant 0 : i32
    %dma_wait3A_52 = arith.constant 0 : i32
    %dma_wait3A_53 = tpu.memref_slice %arg2[%dma_wait3A_51, %dma_wait3A_52] : memref<2048x64xf32, #tpu.memory_space<hbm>> -> memref<2048x64xf32, #tpu.memory_space<hbm>>
    tpu.wait_indirect_dma semaphore(%arg7 : memref<!tpu.dma_semaphore, #tpu.memory_space<semaphore_mem>>) src(%dma_wait3A_53 : memref<2048x64xf32, #tpu.memory_space<hbm>>) dst(%arg6 : memref<256x64xf32, #tpu.memory_space<vmem>>)
    %run_scoped3A_54 = arith.constant 2 : i32
    "tpu.region"() ({
      %run_scoped3A_88 = tpu.sem_alloc : memref<!tpu.dma_semaphore, #tpu.memory_space<semaphore_mem>>
      %dma_start3A_89 = arith.constant 0 : i32
      %dma_start3A_90 = tpu.memref_slice %arg4[%add3A_45, %run_scoped3A_54, %dma_start3A_89] : memref<16384x4x64xf32, #tpu.memory_space<hbm>> -> memref<256x1x64xf32, #tpu.memory_space<hbm>>
      %dma_start3A_91 = tpu.memref_squeeze %dma_start3A_90 : memref<256x1x64xf32, #tpu.memory_space<hbm>> -> memref<256x64xf32, #tpu.memory_space<hbm>>
      %dma_start3A_92 = arith.constant 0 : i32
      %dma_start3A_93 = tpu.memref_slice %arg4[%add3A_45, %run_scoped3A_54, %dma_start3A_92] : memref<16384x4x64xf32, #tpu.memory_space<hbm>> -> memref<256x1x64xf32, #tpu.memory_space<hbm>>
      %dma_start3A_94 = tpu.memref_squeeze %dma_start3A_93 : memref<256x1x64xf32, #tpu.memory_space<hbm>> -> memref<256x64xf32, #tpu.memory_space<hbm>>
      tpu.enqueue_dma source(%arg6 : memref<256x64xf32, #tpu.memory_space<vmem>>) target(%dma_start3A_94 : memref<256x64xf32, #tpu.memory_space<hbm>>) target_semaphore(%run_scoped3A_88 : memref<!tpu.dma_semaphore, #tpu.memory_space<semaphore_mem>>)
      %dma_wait3A_95 = arith.constant 0 : i32
      %dma_wait3A_96 = tpu.memref_slice %arg4[%add3A_45, %run_scoped3A_54, %dma_wait3A_95] : memref<16384x4x64xf32, #tpu.memory_space<hbm>> -> memref<256x1x64xf32, #tpu.memory_space<hbm>>
      %dma_wait3A_97 = tpu.memref_squeeze %dma_wait3A_96 : memref<256x1x64xf32, #tpu.memory_space<hbm>> -> memref<256x64xf32, #tpu.memory_space<hbm>>
      %dma_wait3A_98 = arith.constant 0 : i32
      %dma_wait3A_99 = tpu.memref_slice %arg4[%add3A_45, %run_scoped3A_54, %dma_wait3A_98] : memref<16384x4x64xf32, #tpu.memory_space<hbm>> -> memref<256x1x64xf32, #tpu.memory_space<hbm>>
      %dma_wait3A_100 = tpu.memref_squeeze %dma_wait3A_99 : memref<256x1x64xf32, #tpu.memory_space<hbm>> -> memref<256x64xf32, #tpu.memory_space<hbm>>
      tpu.wait_dma2 semaphore(%run_scoped3A_88 : memref<!tpu.dma_semaphore, #tpu.memory_space<semaphore_mem>>) src(%arg6 : memref<256x64xf32, #tpu.memory_space<vmem>>) dst(%dma_wait3A_100 : memref<256x64xf32, #tpu.memory_space<hbm>>)
      tpu.yield
    }) : () -> ()
    %add3A_55 = arith.constant 256 : i32
    %add3A_56 = arith.addi %mul3A_2, %add3A_55 : i32
    %add3A_57 = arith.constant 32768 : i32
    %add3A_58 = arith.addi %add3A_57, %add3A_56 : i32
    "tpu.region"() ({
      %run_scoped3A_88 = tpu.sem_alloc : memref<!tpu.dma_semaphore, #tpu.memory_space<semaphore_mem>>
      %dma_start3A_89 = tpu.memref_slice %arg3[%add3A_58] : memref<65536xi32, #tpu.memory_space<hbm>> -> memref<256xi32, #tpu.memory_space<hbm>>
      %dma_start3A_90 = tpu.memref_slice %arg3[%add3A_58] : memref<65536xi32, #tpu.memory_space<hbm>> -> memref<256xi32, #tpu.memory_space<hbm>>
      tpu.enqueue_dma source(%dma_start3A_90 : memref<256xi32, #tpu.memory_space<hbm>>) target(%arg5 : memref<256xi32, #tpu.memory_space<vmem>>) target_semaphore(%run_scoped3A_88 : memref<!tpu.dma_semaphore, #tpu.memory_space<semaphore_mem>>)
      %dma_wait3A_91 = tpu.memref_slice %arg3[%add3A_58] : memref<65536xi32, #tpu.memory_space<hbm>> -> memref<256xi32, #tpu.memory_space<hbm>>
      %dma_wait3A_92 = tpu.memref_slice %arg3[%add3A_58] : memref<65536xi32, #tpu.memory_space<hbm>> -> memref<256xi32, #tpu.memory_space<hbm>>
      tpu.wait_dma2 semaphore(%run_scoped3A_88 : memref<!tpu.dma_semaphore, #tpu.memory_space<semaphore_mem>>) src(%dma_wait3A_92 : memref<256xi32, #tpu.memory_space<hbm>>) dst(%arg5 : memref<256xi32, #tpu.memory_space<vmem>>)
      tpu.yield
    }) : () -> ()
    %dma_start3A_59 = arith.constant 0 : i32
    %dma_start3A_60 = arith.constant 0 : i32
    %dma_start3A_61 = tpu.memref_slice %arg2[%dma_start3A_59, %dma_start3A_60] : memref<2048x64xf32, #tpu.memory_space<hbm>> -> memref<2048x64xf32, #tpu.memory_space<hbm>>
    tpu.enqueue_indirect_dma source(%dma_start3A_61 : memref<2048x64xf32, #tpu.memory_space<hbm>>) target(%arg6 : memref<256x64xf32, #tpu.memory_space<vmem>>) offsets(%arg5 : memref<256xi32, #tpu.memory_space<vmem>>) semaphore(%arg7 : memref<!tpu.dma_semaphore, #tpu.memory_space<semaphore_mem>>)
    %dma_wait3A_62 = arith.constant 0 : i32
    %dma_wait3A_63 = arith.constant 0 : i32
    %dma_wait3A_64 = tpu.memref_slice %arg2[%dma_wait3A_62, %dma_wait3A_63] : memref<2048x64xf32, #tpu.memory_space<hbm>> -> memref<2048x64xf32, #tpu.memory_space<hbm>>
    tpu.wait_indirect_dma semaphore(%arg7 : memref<!tpu.dma_semaphore, #tpu.memory_space<semaphore_mem>>) src(%dma_wait3A_64 : memref<2048x64xf32, #tpu.memory_space<hbm>>) dst(%arg6 : memref<256x64xf32, #tpu.memory_space<vmem>>)
    %run_scoped3A_65 = arith.constant 2 : i32
    "tpu.region"() ({
      %run_scoped3A_88 = tpu.sem_alloc : memref<!tpu.dma_semaphore, #tpu.memory_space<semaphore_mem>>
      %dma_start3A_89 = arith.constant 0 : i32
      %dma_start3A_90 = tpu.memref_slice %arg4[%add3A_56, %run_scoped3A_65, %dma_start3A_89] : memref<16384x4x64xf32, #tpu.memory_space<hbm>> -> memref<256x1x64xf32, #tpu.memory_space<hbm>>
      %dma_start3A_91 = tpu.memref_squeeze %dma_start3A_90 : memref<256x1x64xf32, #tpu.memory_space<hbm>> -> memref<256x64xf32, #tpu.memory_space<hbm>>
      %dma_start3A_92 = arith.constant 0 : i32
      %dma_start3A_93 = tpu.memref_slice %arg4[%add3A_56, %run_scoped3A_65, %dma_start3A_92] : memref<16384x4x64xf32, #tpu.memory_space<hbm>> -> memref<256x1x64xf32, #tpu.memory_space<hbm>>
      %dma_start3A_94 = tpu.memref_squeeze %dma_start3A_93 : memref<256x1x64xf32, #tpu.memory_space<hbm>> -> memref<256x64xf32, #tpu.memory_space<hbm>>
      tpu.enqueue_dma source(%arg6 : memref<256x64xf32, #tpu.memory_space<vmem>>) target(%dma_start3A_94 : memref<256x64xf32, #tpu.memory_space<hbm>>) target_semaphore(%run_scoped3A_88 : memref<!tpu.dma_semaphore, #tpu.memory_space<semaphore_mem>>)
      %dma_wait3A_95 = arith.constant 0 : i32
      %dma_wait3A_96 = tpu.memref_slice %arg4[%add3A_56, %run_scoped3A_65, %dma_wait3A_95] : memref<16384x4x64xf32, #tpu.memory_space<hbm>> -> memref<256x1x64xf32, #tpu.memory_space<hbm>>
      %dma_wait3A_97 = tpu.memref_squeeze %dma_wait3A_96 : memref<256x1x64xf32, #tpu.memory_space<hbm>> -> memref<256x64xf32, #tpu.memory_space<hbm>>
      %dma_wait3A_98 = arith.constant 0 : i32
      %dma_wait3A_99 = tpu.memref_slice %arg4[%add3A_56, %run_scoped3A_65, %dma_wait3A_98] : memref<16384x4x64xf32, #tpu.memory_space<hbm>> -> memref<256x1x64xf32, #tpu.memory_space<hbm>>
      %dma_wait3A_100 = tpu.memref_squeeze %dma_wait3A_99 : memref<256x1x64xf32, #tpu.memory_space<hbm>> -> memref<256x64xf32, #tpu.memory_space<hbm>>
      tpu.wait_dma2 semaphore(%run_scoped3A_88 : memref<!tpu.dma_semaphore, #tpu.memory_space<semaphore_mem>>) src(%arg6 : memref<256x64xf32, #tpu.memory_space<vmem>>) dst(%dma_wait3A_100 : memref<256x64xf32, #tpu.memory_space<hbm>>)
      tpu.yield
    }) : () -> ()
    %add3A_66 = arith.constant 0 : i32
    %add3A_67 = arith.addi %mul3A_2, %add3A_66 : i32
    %add3A_68 = arith.constant 49152 : i32
    %add3A_69 = arith.addi %add3A_68, %add3A_67 : i32
    "tpu.region"() ({
      %run_scoped3A_88 = tpu.sem_alloc : memref<!tpu.dma_semaphore, #tpu.memory_space<semaphore_mem>>
      %dma_start3A_89 = tpu.memref_slice %arg3[%add3A_69] : memref<65536xi32, #tpu.memory_space<hbm>> -> memref<256xi32, #tpu.memory_space<hbm>>
      %dma_start3A_90 = tpu.memref_slice %arg3[%add3A_69] : memref<65536xi32, #tpu.memory_space<hbm>> -> memref<256xi32, #tpu.memory_space<hbm>>
      tpu.enqueue_dma source(%dma_start3A_90 : memref<256xi32, #tpu.memory_space<hbm>>) target(%arg5 : memref<256xi32, #tpu.memory_space<vmem>>) target_semaphore(%run_scoped3A_88 : memref<!tpu.dma_semaphore, #tpu.memory_space<semaphore_mem>>)
      %dma_wait3A_91 = tpu.memref_slice %arg3[%add3A_69] : memref<65536xi32, #tpu.memory_space<hbm>> -> memref<256xi32, #tpu.memory_space<hbm>>
      %dma_wait3A_92 = tpu.memref_slice %arg3[%add3A_69] : memref<65536xi32, #tpu.memory_space<hbm>> -> memref<256xi32, #tpu.memory_space<hbm>>
      tpu.wait_dma2 semaphore(%run_scoped3A_88 : memref<!tpu.dma_semaphore, #tpu.memory_space<semaphore_mem>>) src(%dma_wait3A_92 : memref<256xi32, #tpu.memory_space<hbm>>) dst(%arg5 : memref<256xi32, #tpu.memory_space<vmem>>)
      tpu.yield
    }) : () -> ()
    %dma_start3A_70 = arith.constant 0 : i32
    %dma_start3A_71 = arith.constant 0 : i32
    %dma_start3A_72 = tpu.memref_slice %arg2[%dma_start3A_70, %dma_start3A_71] : memref<2048x64xf32, #tpu.memory_space<hbm>> -> memref<2048x64xf32, #tpu.memory_space<hbm>>
    tpu.enqueue_indirect_dma source(%dma_start3A_72 : memref<2048x64xf32, #tpu.memory_space<hbm>>) target(%arg6 : memref<256x64xf32, #tpu.memory_space<vmem>>) offsets(%arg5 : memref<256xi32, #tpu.memory_space<vmem>>) semaphore(%arg7 : memref<!tpu.dma_semaphore, #tpu.memory_space<semaphore_mem>>)
    %dma_wait3A_73 = arith.constant 0 : i32
    %dma_wait3A_74 = arith.constant 0 : i32
    %dma_wait3A_75 = tpu.memref_slice %arg2[%dma_wait3A_73, %dma_wait3A_74] : memref<2048x64xf32, #tpu.memory_space<hbm>> -> memref<2048x64xf32, #tpu.memory_space<hbm>>
    tpu.wait_indirect_dma semaphore(%arg7 : memref<!tpu.dma_semaphore, #tpu.memory_space<semaphore_mem>>) src(%dma_wait3A_75 : memref<2048x64xf32, #tpu.memory_space<hbm>>) dst(%arg6 : memref<256x64xf32, #tpu.memory_space<vmem>>)
    %run_scoped3A_76 = arith.constant 3 : i32
    "tpu.region"() ({
      %run_scoped3A_88 = tpu.sem_alloc : memref<!tpu.dma_semaphore, #tpu.memory_space<semaphore_mem>>
      %dma_start3A_89 = arith.constant 0 : i32
      %dma_start3A_90 = tpu.memref_slice %arg4[%add3A_67, %run_scoped3A_76, %dma_start3A_89] : memref<16384x4x64xf32, #tpu.memory_space<hbm>> -> memref<256x1x64xf32, #tpu.memory_space<hbm>>
      %dma_start3A_91 = tpu.memref_squeeze %dma_start3A_90 : memref<256x1x64xf32, #tpu.memory_space<hbm>> -> memref<256x64xf32, #tpu.memory_space<hbm>>
      %dma_start3A_92 = arith.constant 0 : i32
      %dma_start3A_93 = tpu.memref_slice %arg4[%add3A_67, %run_scoped3A_76, %dma_start3A_92] : memref<16384x4x64xf32, #tpu.memory_space<hbm>> -> memref<256x1x64xf32, #tpu.memory_space<hbm>>
      %dma_start3A_94 = tpu.memref_squeeze %dma_start3A_93 : memref<256x1x64xf32, #tpu.memory_space<hbm>> -> memref<256x64xf32, #tpu.memory_space<hbm>>
      tpu.enqueue_dma source(%arg6 : memref<256x64xf32, #tpu.memory_space<vmem>>) target(%dma_start3A_94 : memref<256x64xf32, #tpu.memory_space<hbm>>) target_semaphore(%run_scoped3A_88 : memref<!tpu.dma_semaphore, #tpu.memory_space<semaphore_mem>>)
      %dma_wait3A_95 = arith.constant 0 : i32
      %dma_wait3A_96 = tpu.memref_slice %arg4[%add3A_67, %run_scoped3A_76, %dma_wait3A_95] : memref<16384x4x64xf32, #tpu.memory_space<hbm>> -> memref<256x1x64xf32, #tpu.memory_space<hbm>>
      %dma_wait3A_97 = tpu.memref_squeeze %dma_wait3A_96 : memref<256x1x64xf32, #tpu.memory_space<hbm>> -> memref<256x64xf32, #tpu.memory_space<hbm>>
      %dma_wait3A_98 = arith.constant 0 : i32
      %dma_wait3A_99 = tpu.memref_slice %arg4[%add3A_67, %run_scoped3A_76, %dma_wait3A_98] : memref<16384x4x64xf32, #tpu.memory_space<hbm>> -> memref<256x1x64xf32, #tpu.memory_space<hbm>>
      %dma_wait3A_100 = tpu.memref_squeeze %dma_wait3A_99 : memref<256x1x64xf32, #tpu.memory_space<hbm>> -> memref<256x64xf32, #tpu.memory_space<hbm>>
      tpu.wait_dma2 semaphore(%run_scoped3A_88 : memref<!tpu.dma_semaphore, #tpu.memory_space<semaphore_mem>>) src(%arg6 : memref<256x64xf32, #tpu.memory_space<vmem>>) dst(%dma_wait3A_100 : memref<256x64xf32, #tpu.memory_space<hbm>>)
      tpu.yield
    }) : () -> ()
    %add3A_77 = arith.constant 256 : i32
    %add3A_78 = arith.addi %mul3A_2, %add3A_77 : i32
    %add3A_79 = arith.constant 49152 : i32
    %add3A_80 = arith.addi %add3A_79, %add3A_78 : i32
    "tpu.region"() ({
      %run_scoped3A_88 = tpu.sem_alloc : memref<!tpu.dma_semaphore, #tpu.memory_space<semaphore_mem>>
      %dma_start3A_89 = tpu.memref_slice %arg3[%add3A_80] : memref<65536xi32, #tpu.memory_space<hbm>> -> memref<256xi32, #tpu.memory_space<hbm>>
      %dma_start3A_90 = tpu.memref_slice %arg3[%add3A_80] : memref<65536xi32, #tpu.memory_space<hbm>> -> memref<256xi32, #tpu.memory_space<hbm>>
      tpu.enqueue_dma source(%dma_start3A_90 : memref<256xi32, #tpu.memory_space<hbm>>) target(%arg5 : memref<256xi32, #tpu.memory_space<vmem>>) target_semaphore(%run_scoped3A_88 : memref<!tpu.dma_semaphore, #tpu.memory_space<semaphore_mem>>)
      %dma_wait3A_91 = tpu.memref_slice %arg3[%add3A_80] : memref<65536xi32, #tpu.memory_space<hbm>> -> memref<256xi32, #tpu.memory_space<hbm>>
      %dma_wait3A_92 = tpu.memref_slice %arg3[%add3A_80] : memref<65536xi32, #tpu.memory_space<hbm>> -> memref<256xi32, #tpu.memory_space<hbm>>
      tpu.wait_dma2 semaphore(%run_scoped3A_88 : memref<!tpu.dma_semaphore, #tpu.memory_space<semaphore_mem>>) src(%dma_wait3A_92 : memref<256xi32, #tpu.memory_space<hbm>>) dst(%arg5 : memref<256xi32, #tpu.memory_space<vmem>>)
      tpu.yield
    }) : () -> ()
    %dma_start3A_81 = arith.constant 0 : i32
    %dma_start3A_82 = arith.constant 0 : i32
    %dma_start3A_83 = tpu.memref_slice %arg2[%dma_start3A_81, %dma_start3A_82] : memref<2048x64xf32, #tpu.memory_space<hbm>> -> memref<2048x64xf32, #tpu.memory_space<hbm>>
    tpu.enqueue_indirect_dma source(%dma_start3A_83 : memref<2048x64xf32, #tpu.memory_space<hbm>>) target(%arg6 : memref<256x64xf32, #tpu.memory_space<vmem>>) offsets(%arg5 : memref<256xi32, #tpu.memory_space<vmem>>) semaphore(%arg7 : memref<!tpu.dma_semaphore, #tpu.memory_space<semaphore_mem>>)
    %dma_wait3A_84 = arith.constant 0 : i32
    %dma_wait3A_85 = arith.constant 0 : i32
    %dma_wait3A_86 = tpu.memref_slice %arg2[%dma_wait3A_84, %dma_wait3A_85] : memref<2048x64xf32, #tpu.memory_space<hbm>> -> memref<2048x64xf32, #tpu.memory_space<hbm>>
    tpu.wait_indirect_dma semaphore(%arg7 : memref<!tpu.dma_semaphore, #tpu.memory_space<semaphore_mem>>) src(%dma_wait3A_86 : memref<2048x64xf32, #tpu.memory_space<hbm>>) dst(%arg6 : memref<256x64xf32, #tpu.memory_space<vmem>>)
    %run_scoped3A_87 = arith.constant 3 : i32
    "tpu.region"() ({
      %run_scoped3A_88 = tpu.sem_alloc : memref<!tpu.dma_semaphore, #tpu.memory_space<semaphore_mem>>
      %dma_start3A_89 = arith.constant 0 : i32
      %dma_start3A_90 = tpu.memref_slice %arg4[%add3A_78, %run_scoped3A_87, %dma_start3A_89] : memref<16384x4x64xf32, #tpu.memory_space<hbm>> -> memref<256x1x64xf32, #tpu.memory_space<hbm>>
      %dma_start3A_91 = tpu.memref_squeeze %dma_start3A_90 : memref<256x1x64xf32, #tpu.memory_space<hbm>> -> memref<256x64xf32, #tpu.memory_space<hbm>>
      %dma_start3A_92 = arith.constant 0 : i32
      %dma_start3A_93 = tpu.memref_slice %arg4[%add3A_78, %run_scoped3A_87, %dma_start3A_92] : memref<16384x4x64xf32, #tpu.memory_space<hbm>> -> memref<256x1x64xf32, #tpu.memory_space<hbm>>
      %dma_start3A_94 = tpu.memref_squeeze %dma_start3A_93 : memref<256x1x64xf32, #tpu.memory_space<hbm>> -> memref<256x64xf32, #tpu.memory_space<hbm>>
      tpu.enqueue_dma source(%arg6 : memref<256x64xf32, #tpu.memory_space<vmem>>) target(%dma_start3A_94 : memref<256x64xf32, #tpu.memory_space<hbm>>) target_semaphore(%run_scoped3A_88 : memref<!tpu.dma_semaphore, #tpu.memory_space<semaphore_mem>>)
      %dma_wait3A_95 = arith.constant 0 : i32
      %dma_wait3A_96 = tpu.memref_slice %arg4[%add3A_78, %run_scoped3A_87, %dma_wait3A_95] : memref<16384x4x64xf32, #tpu.memory_space<hbm>> -> memref<256x1x64xf32, #tpu.memory_space<hbm>>
      %dma_wait3A_97 = tpu.memref_squeeze %dma_wait3A_96 : memref<256x1x64xf32, #tpu.memory_space<hbm>> -> memref<256x64xf32, #tpu.memory_space<hbm>>
      %dma_wait3A_98 = arith.constant 0 : i32
      %dma_wait3A_99 = tpu.memref_slice %arg4[%add3A_78, %run_scoped3A_87, %dma_wait3A_98] : memref<16384x4x64xf32, #tpu.memory_space<hbm>> -> memref<256x1x64xf32, #tpu.memory_space<hbm>>
      %dma_wait3A_100 = tpu.memref_squeeze %dma_wait3A_99 : memref<256x1x64xf32, #tpu.memory_space<hbm>> -> memref<256x64xf32, #tpu.memory_space<hbm>>
      tpu.wait_dma2 semaphore(%run_scoped3A_88 : memref<!tpu.dma_semaphore, #tpu.memory_space<semaphore_mem>>) src(%arg6 : memref<256x64xf32, #tpu.memory_space<vmem>>) dst(%dma_wait3A_100 : memref<256x64xf32, #tpu.memory_space<hbm>>)
      tpu.yield
    }) : () -> ()
    return
  }
}

module attributes {stable_mosaic.version = 14 : i64} {
  func.func @_vq_body(%arg0: i32, %arg1: memref<512x256xf32, #tpu.memory_space<vmem>>, %arg2: memref<4x512x64xf32, #tpu.memory_space<vmem>>, %arg3: memref<4x512xi32, #tpu.memory_space<vmem>>, %arg4: memref<1x1xf32, #tpu.memory_space<smem>>, %arg5: memref<4x512x512xf32, #tpu.memory_space<vmem>>) attributes {dimension_semantics = [#tpu.dimension_semantics<arbitrary>], iteration_bounds = array<i64: 32>, scalar_prefetch = 0 : i64, scratch_operands = 0 : i64, tpu.core_type = #tpu.core_type<tc>, window_params = [{transform_indices = @transform_0, window_bounds = array<i64: 512, 256>}, {pipeline_mode = #tpu.pipeline_mode<synchronous>, transform_indices = @transform_1, window_bounds = array<i64: 4, 512, 64>}, {transform_indices = @transform_2, window_bounds = array<i64: 4, 512>}, {transform_indices = @transform_3, window_bounds = array<i64: 1, 1>}, {transform_indices = @transform_4, window_bounds = array<i64: 4, 512, 512>}]} {
    %eq3A = arith.constant 0 : i32
    %eq3A_0 = arith.cmpi eq, %arg0, %eq3A : i32
    %convert_element_type3A = arith.extui %eq3A_0 : i1 to i32
    %cond3A = arith.constant 0 : i32
    %cond3A_1 = arith.cmpi ne, %convert_element_type3A, %cond3A : i32
    scf.if %cond3A_1 {
      %swap3A_224 = arith.constant 0.000000e+00 : f32
      %swap3A_225 = arith.constant 0 : index
      %swap3A_226 = arith.constant 0 : index
      %swap3A_227 = memref.load %arg4[%swap3A_225, %swap3A_226] : memref<1x1xf32, #tpu.memory_space<smem>>
      memref.store %swap3A_224, %arg4[%swap3A_225, %swap3A_226] : memref<1x1xf32, #tpu.memory_space<smem>>
    } else {
    }
    %get3A = arith.constant 0 : index
    %get3A_2 = arith.constant 0 : index
    %get3A_3 = vector.load %arg1[%get3A, %get3A_2] : memref<512x256xf32, #tpu.memory_space<vmem>>, vector<512x64xf32>
    %get3A_4 = arith.constant 0 : index
    %get3A_5 = arith.constant 0 : index
    %get3A_6 = arith.constant 0 : index
    %get3A_7 = vector.load %arg2[%get3A_4, %get3A_5, %get3A_6] : memref<4x512x64xf32, #tpu.memory_space<vmem>>, vector<1x512x64xf32>
    %get3A_8 = vector.shape_cast %get3A_7 : vector<1x512x64xf32> to vector<512x64xf32>
    %mul3A = arith.mulf %get3A_3, %get3A_3 : vector<512x64xf32>
    %reduce_sum3A = arith.constant dense<0.000000e+00> : vector<512xf32>
    %reduce_sum3A_9 = vector.multi_reduction <add>, %mul3A, %reduce_sum3A [1] : vector<512x64xf32> to vector<512xf32>
    %broadcast_in_dim3A = vector.shape_cast %reduce_sum3A_9 : vector<512xf32> to vector<512x1xf32>
    %mul3A_10 = arith.mulf %get3A_8, %get3A_8 : vector<512x64xf32>
    %reduce_sum3A_11 = arith.constant dense<0.000000e+00> : vector<512xf32>
    %reduce_sum3A_12 = vector.multi_reduction <add>, %mul3A_10, %reduce_sum3A_11 [1] : vector<512x64xf32> to vector<512xf32>
    %dot_general3A = arith.constant dense<0.000000e+00> : vector<512x512xf32>
    %dot_general3A_13 = tpu.matmul %get3A_3, %get3A_8, %dot_general3A {dimension_numbers = #tpu.dot_dimension_numbers<[1], [1], [0], [0], [0, 0, 1, 0], [], []>, transpose_lhs_hint = false} : vector<512x64xf32>, vector<512x64xf32>, vector<512x512xf32> -> vector<512x512xf32>
    %mul3A_14 = arith.constant 2.000000e+00 : f32
    %mul3A_15 = vector.broadcast %mul3A_14 : f32 to vector<512x512xf32>
    %mul3A_16 = arith.mulf %mul3A_15, %dot_general3A_13 : vector<512x512xf32>
    %sub3A = vector.broadcast %broadcast_in_dim3A : vector<512x1xf32> to vector<512x512xf32>
    %sub3A_17 = arith.subf %sub3A, %mul3A_16 : vector<512x512xf32>
    %broadcast_in_dim3A_18 = vector.shape_cast %reduce_sum3A_12 : vector<512xf32> to vector<1x512xf32>
    %add3A = vector.broadcast %broadcast_in_dim3A_18 : vector<1x512xf32> to vector<512x512xf32>
    %add3A_19 = arith.addf %sub3A_17, %add3A : vector<512x512xf32>
    %swap3A = arith.constant 0 : index
    %swap3A_20 = arith.constant 0 : index
    %swap3A_21 = arith.constant 0 : index
    %swap3A_22 = vector.load %arg5[%swap3A, %swap3A_20, %swap3A_21] : memref<4x512x512xf32, #tpu.memory_space<vmem>>, vector<1x512x512xf32>
    %swap3A_23 = vector.shape_cast %swap3A_22 : vector<1x512x512xf32> to vector<512x512xf32>
    %swap3A_24 = vector.shape_cast %add3A_19 : vector<512x512xf32> to vector<1x512x512xf32>
    tpu.vector_store %arg5[%swap3A, %swap3A_20, %swap3A_21], %swap3A_24 {strides = array<i32>} : memref<4x512x512xf32, #tpu.memory_space<vmem>>, vector<1x512x512xf32>,
    %reduce_min3A = arith.constant dense<0x7F800000> : vector<512xf32>
    %reduce_min3A_25 = vector.multi_reduction <minimumf>, %add3A_19, %reduce_min3A [1] : vector<512x512xf32> to vector<512xf32>
    %broadcast_in_dim3A_26 = vector.shape_cast %reduce_min3A_25 : vector<512xf32> to vector<512x1xf32>
    %iota3A = tpu.iota {dimensions = array<i32: 1>} : vector<512x512xi32>
    %eq3A_27 = vector.broadcast %broadcast_in_dim3A_26 : vector<512x1xf32> to vector<512x512xf32>
    %eq3A_28 = arith.cmpf oeq, %add3A_19, %eq3A_27 : vector<512x512xf32>
    %jit3A = arith.constant 512 : i32
    %broadcast_in_dim3A_29 = vector.broadcast %jit3A : i32 to vector<512x512xi32>
    %select_n3A = arith.select %eq3A_28, %iota3A, %broadcast_in_dim3A_29 : vector<512x512xi1>, vector<512x512xi32>
    %reduce_min3A_30 = arith.constant dense<2147483647> : vector<512xi32>
    %reduce_min3A_31 = vector.multi_reduction <minsi>, %select_n3A, %reduce_min3A_30 [1] : vector<512x512xi32> to vector<512xi32>
    %add3A_32 = arith.constant 0 : i32
    %add3A_33 = vector.broadcast %add3A_32 : i32 to vector<512xi32>
    %add3A_34 = arith.addi %reduce_min3A_31, %add3A_33 : vector<512xi32>
    %swap3A_35 = arith.constant 0 : index
    %swap3A_36 = arith.constant 0 : index
    %swap3A_37 = vector.load %arg3[%swap3A_35, %swap3A_36] : memref<4x512xi32, #tpu.memory_space<vmem>>, vector<1x512xi32>
    %swap3A_38 = vector.shape_cast %swap3A_37 : vector<1x512xi32> to vector<512xi32>
    %swap3A_39 = vector.shape_cast %add3A_34 : vector<512xi32> to vector<1x512xi32>
    tpu.vector_store %arg3[%swap3A_35, %swap3A_36], %swap3A_39 {strides = array<i32>} : memref<4x512xi32, #tpu.memory_space<vmem>>, vector<1x512xi32>,
    %reduce_sum3A_40 = vector.shape_cast %broadcast_in_dim3A_26 : vector<512x1xf32> to vector<1x512x1xf32>
    %reduce_sum3A_41 = arith.constant dense<0.000000e+00> : vector<1xf32>
    %reduce_sum3A_42 = vector.multi_reduction <add>, %reduce_sum3A_40, %reduce_sum3A_41 [1, 2] : vector<1x512x1xf32> to vector<1xf32>
    %reduce_sum3A_43 = vector.shape_cast %reduce_sum3A_42 : vector<1xf32> to vector<1x1x1xf32>
    %reduce_sum3A_44 = vector.extract %reduce_sum3A_43[0, 0, 0] : f32 from vector<1x1x1xf32>
    %add3A_45 = arith.constant 0.000000e+00 : f32
    %add3A_46 = arith.addf %add3A_45, %reduce_sum3A_44 : f32
    %get3A_47 = arith.constant 0 : index
    %get3A_48 = arith.constant 64 : index
    %get3A_49 = vector.load %arg1[%get3A_47, %get3A_48] : memref<512x256xf32, #tpu.memory_space<vmem>>, vector<512x64xf32>
    %get3A_50 = arith.constant 1 : index
    %get3A_51 = arith.constant 0 : index
    %get3A_52 = arith.constant 0 : index
    %get3A_53 = vector.load %arg2[%get3A_50, %get3A_51, %get3A_52] : memref<4x512x64xf32, #tpu.memory_space<vmem>>, vector<1x512x64xf32>
    %get3A_54 = vector.shape_cast %get3A_53 : vector<1x512x64xf32> to vector<512x64xf32>
    %mul3A_55 = arith.mulf %get3A_49, %get3A_49 : vector<512x64xf32>
    %reduce_sum3A_56 = arith.constant dense<0.000000e+00> : vector<512xf32>
    %reduce_sum3A_57 = vector.multi_reduction <add>, %mul3A_55, %reduce_sum3A_56 [1] : vector<512x64xf32> to vector<512xf32>
    %broadcast_in_dim3A_58 = vector.shape_cast %reduce_sum3A_57 : vector<512xf32> to vector<512x1xf32>
    %mul3A_59 = arith.mulf %get3A_54, %get3A_54 : vector<512x64xf32>
    %reduce_sum3A_60 = arith.constant dense<0.000000e+00> : vector<512xf32>
    %reduce_sum3A_61 = vector.multi_reduction <add>, %mul3A_59, %reduce_sum3A_60 [1] : vector<512x64xf32> to vector<512xf32>
    %dot_general3A_62 = arith.constant dense<0.000000e+00> : vector<512x512xf32>
    %dot_general3A_63 = tpu.matmul %get3A_49, %get3A_54, %dot_general3A_62 {dimension_numbers = #tpu.dot_dimension_numbers<[1], [1], [0], [0], [0, 0, 1, 0], [], []>, transpose_lhs_hint = false} : vector<512x64xf32>, vector<512x64xf32>, vector<512x512xf32> -> vector<512x512xf32>
    %mul3A_64 = arith.constant 2.000000e+00 : f32
    %mul3A_65 = vector.broadcast %mul3A_64 : f32 to vector<512x512xf32>
    %mul3A_66 = arith.mulf %mul3A_65, %dot_general3A_63 : vector<512x512xf32>
    %sub3A_67 = vector.broadcast %broadcast_in_dim3A_58 : vector<512x1xf32> to vector<512x512xf32>
    %sub3A_68 = arith.subf %sub3A_67, %mul3A_66 : vector<512x512xf32>
    %broadcast_in_dim3A_69 = vector.shape_cast %reduce_sum3A_61 : vector<512xf32> to vector<1x512xf32>
    %add3A_70 = vector.broadcast %broadcast_in_dim3A_69 : vector<1x512xf32> to vector<512x512xf32>
    %add3A_71 = arith.addf %sub3A_68, %add3A_70 : vector<512x512xf32>
    %swap3A_72 = arith.constant 1 : index
    %swap3A_73 = arith.constant 0 : index
    %swap3A_74 = arith.constant 0 : index
    %swap3A_75 = vector.load %arg5[%swap3A_72, %swap3A_73, %swap3A_74] : memref<4x512x512xf32, #tpu.memory_space<vmem>>, vector<1x512x512xf32>
    %swap3A_76 = vector.shape_cast %swap3A_75 : vector<1x512x512xf32> to vector<512x512xf32>
    %swap3A_77 = vector.shape_cast %add3A_71 : vector<512x512xf32> to vector<1x512x512xf32>
    tpu.vector_store %arg5[%swap3A_72, %swap3A_73, %swap3A_74], %swap3A_77 {strides = array<i32>} : memref<4x512x512xf32, #tpu.memory_space<vmem>>, vector<1x512x512xf32>,
    %reduce_min3A_78 = arith.constant dense<0x7F800000> : vector<512xf32>
    %reduce_min3A_79 = vector.multi_reduction <minimumf>, %add3A_71, %reduce_min3A_78 [1] : vector<512x512xf32> to vector<512xf32>
    %broadcast_in_dim3A_80 = vector.shape_cast %reduce_min3A_79 : vector<512xf32> to vector<512x1xf32>
    %iota3A_81 = tpu.iota {dimensions = array<i32: 1>} : vector<512x512xi32>
    %eq3A_82 = vector.broadcast %broadcast_in_dim3A_80 : vector<512x1xf32> to vector<512x512xf32>
    %eq3A_83 = arith.cmpf oeq, %add3A_71, %eq3A_82 : vector<512x512xf32>
    %jit3A_84 = arith.constant 512 : i32
    %broadcast_in_dim3A_85 = vector.broadcast %jit3A_84 : i32 to vector<512x512xi32>
    %select_n3A_86 = arith.select %eq3A_83, %iota3A_81, %broadcast_in_dim3A_85 : vector<512x512xi1>, vector<512x512xi32>
    %reduce_min3A_87 = arith.constant dense<2147483647> : vector<512xi32>
    %reduce_min3A_88 = vector.multi_reduction <minsi>, %select_n3A_86, %reduce_min3A_87 [1] : vector<512x512xi32> to vector<512xi32>
    %add3A_89 = arith.constant 512 : i32
    %add3A_90 = vector.broadcast %add3A_89 : i32 to vector<512xi32>
    %add3A_91 = arith.addi %reduce_min3A_88, %add3A_90 : vector<512xi32>
    %swap3A_92 = arith.constant 1 : index
    %swap3A_93 = arith.constant 0 : index
    %swap3A_94 = vector.load %arg3[%swap3A_92, %swap3A_93] : memref<4x512xi32, #tpu.memory_space<vmem>>, vector<1x512xi32>
    %swap3A_95 = vector.shape_cast %swap3A_94 : vector<1x512xi32> to vector<512xi32>
    %swap3A_96 = vector.shape_cast %add3A_91 : vector<512xi32> to vector<1x512xi32>
    tpu.vector_store %arg3[%swap3A_92, %swap3A_93], %swap3A_96 {strides = array<i32>} : memref<4x512xi32, #tpu.memory_space<vmem>>, vector<1x512xi32>,
    %reduce_sum3A_97 = vector.shape_cast %broadcast_in_dim3A_80 : vector<512x1xf32> to vector<1x512x1xf32>
    %reduce_sum3A_98 = arith.constant dense<0.000000e+00> : vector<1xf32>
    %reduce_sum3A_99 = vector.multi_reduction <add>, %reduce_sum3A_97, %reduce_sum3A_98 [1, 2] : vector<1x512x1xf32> to vector<1xf32>
    %reduce_sum3A_100 = vector.shape_cast %reduce_sum3A_99 : vector<1xf32> to vector<1x1x1xf32>
    %reduce_sum3A_101 = vector.extract %reduce_sum3A_100[0, 0, 0] : f32 from vector<1x1x1xf32>
    %add3A_102 = arith.addf %add3A_46, %reduce_sum3A_101 : f32
    %get3A_103 = arith.constant 0 : index
    %get3A_104 = arith.constant 128 : index
    %get3A_105 = vector.load %arg1[%get3A_103, %get3A_104] : memref<512x256xf32, #tpu.memory_space<vmem>>, vector<512x64xf32>
    %get3A_106 = arith.constant 2 : index
    %get3A_107 = arith.constant 0 : index
    %get3A_108 = arith.constant 0 : index
    %get3A_109 = vector.load %arg2[%get3A_106, %get3A_107, %get3A_108] : memref<4x512x64xf32, #tpu.memory_space<vmem>>, vector<1x512x64xf32>
    %get3A_110 = vector.shape_cast %get3A_109 : vector<1x512x64xf32> to vector<512x64xf32>
    %mul3A_111 = arith.mulf %get3A_105, %get3A_105 : vector<512x64xf32>
    %reduce_sum3A_112 = arith.constant dense<0.000000e+00> : vector<512xf32>
    %reduce_sum3A_113 = vector.multi_reduction <add>, %mul3A_111, %reduce_sum3A_112 [1] : vector<512x64xf32> to vector<512xf32>
    %broadcast_in_dim3A_114 = vector.shape_cast %reduce_sum3A_113 : vector<512xf32> to vector<512x1xf32>
    %mul3A_115 = arith.mulf %get3A_110, %get3A_110 : vector<512x64xf32>
    %reduce_sum3A_116 = arith.constant dense<0.000000e+00> : vector<512xf32>
    %reduce_sum3A_117 = vector.multi_reduction <add>, %mul3A_115, %reduce_sum3A_116 [1] : vector<512x64xf32> to vector<512xf32>
    %dot_general3A_118 = arith.constant dense<0.000000e+00> : vector<512x512xf32>
    %dot_general3A_119 = tpu.matmul %get3A_105, %get3A_110, %dot_general3A_118 {dimension_numbers = #tpu.dot_dimension_numbers<[1], [1], [0], [0], [0, 0, 1, 0], [], []>, transpose_lhs_hint = false} : vector<512x64xf32>, vector<512x64xf32>, vector<512x512xf32> -> vector<512x512xf32>
    %mul3A_120 = arith.constant 2.000000e+00 : f32
    %mul3A_121 = vector.broadcast %mul3A_120 : f32 to vector<512x512xf32>
    %mul3A_122 = arith.mulf %mul3A_121, %dot_general3A_119 : vector<512x512xf32>
    %sub3A_123 = vector.broadcast %broadcast_in_dim3A_114 : vector<512x1xf32> to vector<512x512xf32>
    %sub3A_124 = arith.subf %sub3A_123, %mul3A_122 : vector<512x512xf32>
    %broadcast_in_dim3A_125 = vector.shape_cast %reduce_sum3A_117 : vector<512xf32> to vector<1x512xf32>
    %add3A_126 = vector.broadcast %broadcast_in_dim3A_125 : vector<1x512xf32> to vector<512x512xf32>
    %add3A_127 = arith.addf %sub3A_124, %add3A_126 : vector<512x512xf32>
    %swap3A_128 = arith.constant 2 : index
    %swap3A_129 = arith.constant 0 : index
    %swap3A_130 = arith.constant 0 : index
    %swap3A_131 = vector.load %arg5[%swap3A_128, %swap3A_129, %swap3A_130] : memref<4x512x512xf32, #tpu.memory_space<vmem>>, vector<1x512x512xf32>
    %swap3A_132 = vector.shape_cast %swap3A_131 : vector<1x512x512xf32> to vector<512x512xf32>
    %swap3A_133 = vector.shape_cast %add3A_127 : vector<512x512xf32> to vector<1x512x512xf32>
    tpu.vector_store %arg5[%swap3A_128, %swap3A_129, %swap3A_130], %swap3A_133 {strides = array<i32>} : memref<4x512x512xf32, #tpu.memory_space<vmem>>, vector<1x512x512xf32>,
    %reduce_min3A_134 = arith.constant dense<0x7F800000> : vector<512xf32>
    %reduce_min3A_135 = vector.multi_reduction <minimumf>, %add3A_127, %reduce_min3A_134 [1] : vector<512x512xf32> to vector<512xf32>
    %broadcast_in_dim3A_136 = vector.shape_cast %reduce_min3A_135 : vector<512xf32> to vector<512x1xf32>
    %iota3A_137 = tpu.iota {dimensions = array<i32: 1>} : vector<512x512xi32>
    %eq3A_138 = vector.broadcast %broadcast_in_dim3A_136 : vector<512x1xf32> to vector<512x512xf32>
    %eq3A_139 = arith.cmpf oeq, %add3A_127, %eq3A_138 : vector<512x512xf32>
    %jit3A_140 = arith.constant 512 : i32
    %broadcast_in_dim3A_141 = vector.broadcast %jit3A_140 : i32 to vector<512x512xi32>
    %select_n3A_142 = arith.select %eq3A_139, %iota3A_137, %broadcast_in_dim3A_141 : vector<512x512xi1>, vector<512x512xi32>
    %reduce_min3A_143 = arith.constant dense<2147483647> : vector<512xi32>
    %reduce_min3A_144 = vector.multi_reduction <minsi>, %select_n3A_142, %reduce_min3A_143 [1] : vector<512x512xi32> to vector<512xi32>
    %add3A_145 = arith.constant 1024 : i32
    %add3A_146 = vector.broadcast %add3A_145 : i32 to vector<512xi32>
    %add3A_147 = arith.addi %reduce_min3A_144, %add3A_146 : vector<512xi32>
    %swap3A_148 = arith.constant 2 : index
    %swap3A_149 = arith.constant 0 : index
    %swap3A_150 = vector.load %arg3[%swap3A_148, %swap3A_149] : memref<4x512xi32, #tpu.memory_space<vmem>>, vector<1x512xi32>
    %swap3A_151 = vector.shape_cast %swap3A_150 : vector<1x512xi32> to vector<512xi32>
    %swap3A_152 = vector.shape_cast %add3A_147 : vector<512xi32> to vector<1x512xi32>
    tpu.vector_store %arg3[%swap3A_148, %swap3A_149], %swap3A_152 {strides = array<i32>} : memref<4x512xi32, #tpu.memory_space<vmem>>, vector<1x512xi32>,
    %reduce_sum3A_153 = vector.shape_cast %broadcast_in_dim3A_136 : vector<512x1xf32> to vector<1x512x1xf32>
    %reduce_sum3A_154 = arith.constant dense<0.000000e+00> : vector<1xf32>
    %reduce_sum3A_155 = vector.multi_reduction <add>, %reduce_sum3A_153, %reduce_sum3A_154 [1, 2] : vector<1x512x1xf32> to vector<1xf32>
    %reduce_sum3A_156 = vector.shape_cast %reduce_sum3A_155 : vector<1xf32> to vector<1x1x1xf32>
    %reduce_sum3A_157 = vector.extract %reduce_sum3A_156[0, 0, 0] : f32 from vector<1x1x1xf32>
    %add3A_158 = arith.addf %add3A_102, %reduce_sum3A_157 : f32
    %get3A_159 = arith.constant 0 : index
    %get3A_160 = arith.constant 192 : index
    %get3A_161 = vector.load %arg1[%get3A_159, %get3A_160] : memref<512x256xf32, #tpu.memory_space<vmem>>, vector<512x64xf32>
    %get3A_162 = arith.constant 3 : index
    %get3A_163 = arith.constant 0 : index
    %get3A_164 = arith.constant 0 : index
    %get3A_165 = vector.load %arg2[%get3A_162, %get3A_163, %get3A_164] : memref<4x512x64xf32, #tpu.memory_space<vmem>>, vector<1x512x64xf32>
    %get3A_166 = vector.shape_cast %get3A_165 : vector<1x512x64xf32> to vector<512x64xf32>
    %mul3A_167 = arith.mulf %get3A_161, %get3A_161 : vector<512x64xf32>
    %reduce_sum3A_168 = arith.constant dense<0.000000e+00> : vector<512xf32>
    %reduce_sum3A_169 = vector.multi_reduction <add>, %mul3A_167, %reduce_sum3A_168 [1] : vector<512x64xf32> to vector<512xf32>
    %broadcast_in_dim3A_170 = vector.shape_cast %reduce_sum3A_169 : vector<512xf32> to vector<512x1xf32>
    %mul3A_171 = arith.mulf %get3A_166, %get3A_166 : vector<512x64xf32>
    %reduce_sum3A_172 = arith.constant dense<0.000000e+00> : vector<512xf32>
    %reduce_sum3A_173 = vector.multi_reduction <add>, %mul3A_171, %reduce_sum3A_172 [1] : vector<512x64xf32> to vector<512xf32>
    %dot_general3A_174 = arith.constant dense<0.000000e+00> : vector<512x512xf32>
    %dot_general3A_175 = tpu.matmul %get3A_161, %get3A_166, %dot_general3A_174 {dimension_numbers = #tpu.dot_dimension_numbers<[1], [1], [0], [0], [0, 0, 1, 0], [], []>, transpose_lhs_hint = false} : vector<512x64xf32>, vector<512x64xf32>, vector<512x512xf32> -> vector<512x512xf32>
    %mul3A_176 = arith.constant 2.000000e+00 : f32
    %mul3A_177 = vector.broadcast %mul3A_176 : f32 to vector<512x512xf32>
    %mul3A_178 = arith.mulf %mul3A_177, %dot_general3A_175 : vector<512x512xf32>
    %sub3A_179 = vector.broadcast %broadcast_in_dim3A_170 : vector<512x1xf32> to vector<512x512xf32>
    %sub3A_180 = arith.subf %sub3A_179, %mul3A_178 : vector<512x512xf32>
    %broadcast_in_dim3A_181 = vector.shape_cast %reduce_sum3A_173 : vector<512xf32> to vector<1x512xf32>
    %add3A_182 = vector.broadcast %broadcast_in_dim3A_181 : vector<1x512xf32> to vector<512x512xf32>
    %add3A_183 = arith.addf %sub3A_180, %add3A_182 : vector<512x512xf32>
    %swap3A_184 = arith.constant 3 : index
    %swap3A_185 = arith.constant 0 : index
    %swap3A_186 = arith.constant 0 : index
    %swap3A_187 = vector.load %arg5[%swap3A_184, %swap3A_185, %swap3A_186] : memref<4x512x512xf32, #tpu.memory_space<vmem>>, vector<1x512x512xf32>
    %swap3A_188 = vector.shape_cast %swap3A_187 : vector<1x512x512xf32> to vector<512x512xf32>
    %swap3A_189 = vector.shape_cast %add3A_183 : vector<512x512xf32> to vector<1x512x512xf32>
    tpu.vector_store %arg5[%swap3A_184, %swap3A_185, %swap3A_186], %swap3A_189 {strides = array<i32>} : memref<4x512x512xf32, #tpu.memory_space<vmem>>, vector<1x512x512xf32>,
    %reduce_min3A_190 = arith.constant dense<0x7F800000> : vector<512xf32>
    %reduce_min3A_191 = vector.multi_reduction <minimumf>, %add3A_183, %reduce_min3A_190 [1] : vector<512x512xf32> to vector<512xf32>
    %broadcast_in_dim3A_192 = vector.shape_cast %reduce_min3A_191 : vector<512xf32> to vector<512x1xf32>
    %iota3A_193 = tpu.iota {dimensions = array<i32: 1>} : vector<512x512xi32>
    %eq3A_194 = vector.broadcast %broadcast_in_dim3A_192 : vector<512x1xf32> to vector<512x512xf32>
    %eq3A_195 = arith.cmpf oeq, %add3A_183, %eq3A_194 : vector<512x512xf32>
    %jit3A_196 = arith.constant 512 : i32
    %broadcast_in_dim3A_197 = vector.broadcast %jit3A_196 : i32 to vector<512x512xi32>
    %select_n3A_198 = arith.select %eq3A_195, %iota3A_193, %broadcast_in_dim3A_197 : vector<512x512xi1>, vector<512x512xi32>
    %reduce_min3A_199 = arith.constant dense<2147483647> : vector<512xi32>
    %reduce_min3A_200 = vector.multi_reduction <minsi>, %select_n3A_198, %reduce_min3A_199 [1] : vector<512x512xi32> to vector<512xi32>
    %add3A_201 = arith.constant 1536 : i32
    %add3A_202 = vector.broadcast %add3A_201 : i32 to vector<512xi32>
    %add3A_203 = arith.addi %reduce_min3A_200, %add3A_202 : vector<512xi32>
    %swap3A_204 = arith.constant 3 : index
    %swap3A_205 = arith.constant 0 : index
    %swap3A_206 = vector.load %arg3[%swap3A_204, %swap3A_205] : memref<4x512xi32, #tpu.memory_space<vmem>>, vector<1x512xi32>
    %swap3A_207 = vector.shape_cast %swap3A_206 : vector<1x512xi32> to vector<512xi32>
    %swap3A_208 = vector.shape_cast %add3A_203 : vector<512xi32> to vector<1x512xi32>
    tpu.vector_store %arg3[%swap3A_204, %swap3A_205], %swap3A_208 {strides = array<i32>} : memref<4x512xi32, #tpu.memory_space<vmem>>, vector<1x512xi32>,
    %reduce_sum3A_209 = vector.shape_cast %broadcast_in_dim3A_192 : vector<512x1xf32> to vector<1x512x1xf32>
    %reduce_sum3A_210 = arith.constant dense<0.000000e+00> : vector<1xf32>
    %reduce_sum3A_211 = vector.multi_reduction <add>, %reduce_sum3A_209, %reduce_sum3A_210 [1, 2] : vector<1x512x1xf32> to vector<1xf32>
    %reduce_sum3A_212 = vector.shape_cast %reduce_sum3A_211 : vector<1xf32> to vector<1x1x1xf32>
    %reduce_sum3A_213 = vector.extract %reduce_sum3A_212[0, 0, 0] : f32 from vector<1x1x1xf32>
    %add3A_214 = arith.addf %add3A_158, %reduce_sum3A_213 : f32
    %get3A_215 = arith.constant 0 : index
    %get3A_216 = arith.constant 0 : index
    %get3A_217 = memref.load %arg4[%get3A_215, %get3A_216] : memref<1x1xf32, #tpu.memory_space<smem>>
    %mul3A_218 = arith.constant 2.98023224E-7 : f32
    %mul3A_219 = arith.mulf %add3A_214, %mul3A_218 : f32
    %add3A_220 = arith.addf %get3A_217, %mul3A_219 : f32
    %swap3A_221 = arith.constant 0 : index
    %swap3A_222 = arith.constant 0 : index
    %swap3A_223 = memref.load %arg4[%swap3A_221, %swap3A_222] : memref<1x1xf32, #tpu.memory_space<smem>>
    memref.store %add3A_220, %arg4[%swap3A_221, %swap3A_222] : memref<1x1xf32, #tpu.memory_space<smem>>
    return
  }
  func.func @transform_0(%arg0: i32) -> (i32, i32) {
    %c0_i32 = arith.constant 0 : i32
    %c0_i32_0 = arith.constant 0 : i32
    return %arg0, %c0_i32 : i32, i32
  }
  func.func @transform_1(%arg0: i32) -> (i32, i32, i32) {
    %c0_i32 = arith.constant 0 : i32
    %c0_i32_0 = arith.constant 0 : i32
    %c0_i32_1 = arith.constant 0 : i32
    %c0_i32_2 = arith.constant 0 : i32
    return %c0_i32, %c0_i32_0, %c0_i32_1 : i32, i32, i32
  }
  func.func @transform_2(%arg0: i32) -> (i32, i32) {
    %c0_i32 = arith.constant 0 : i32
    %c0_i32_0 = arith.constant 0 : i32
    return %c0_i32, %arg0 : i32, i32
  }
  func.func @transform_3(%arg0: i32) -> (i32, i32) {
    %c0_i32 = arith.constant 0 : i32
    %c0_i32_0 = arith.constant 0 : i32
    %c0_i32_1 = arith.constant 0 : i32
    return %c0_i32, %c0_i32_0 : i32, i32
  }
  func.func @transform_4(%arg0: i32) -> (i32, i32, i32) {
    %c0_i32 = arith.constant 0 : i32
    %c0_i32_0 = arith.constant 0 : i32
    %c0_i32_1 = arith.constant 0 : i32
    return %c0_i32, %arg0, %c0_i32_0 : i32, i32, i32
  }
}

</mosaic_0001>

<sc_bundles>
// kernel: kernel.4.cloned.1.call-start
scs
__scs_entry_jumppad:
0x0: {  	(pc) =	sbr.rel $0x88, $3  }
0x1: {  	(tag) =	ssettag $0x0;
	lr =	simm.s32 $0x1  }
0x2: {  	[smem:$0x3F9F] =	sst lr;
	_ =	strace $0xD0000000  }
0x3: {  	_ = 	snop  }
0x4: {  	_ = 	snop  }
0x5: {  	_ = 	snop  }
0x6: {  	_ = 	snop  }
0x7: {  	_ = 	snop  }
__scs_overlays_trampoline_lowered:
0x8: {  	[smem:$0x3FAE] =	sst s0  }
0x9: {  	[smem:$0x3FAF] =	sst s1  }
0xa: {  	[smem:$0x3FB0] =	sst s2  }
0xb: {  	[smem:$0x3FB1] =	sst s3  }
0xc: {  	[smem:$0x3FB2] =	sst s4  }
0xd: {  	[smem:$0x3FB3] =	sst s5  }
0xe: {  	[smem:$0x3FB4] =	sst s6  }
0xf: {  	[smem:$0x3FB5] =	sst s7  }
0x10: {  	[smem:$0x3FB6] =	sst s8  }
0x11: {  	[smem:$0x3FB7] =	sst s9;
	s0 =	simm.s32 @!p0 $0x0  }
0x12: {  	s1 =	sld [smem:$0x3F9D];
	s0 =	simm.s32 @p0 $0x1  }
0x13: {  	[smem:$0x3FB8] =	sst s0;
	s0 =	simm.s32 @!p1 $0x0  }
0x14: {  	s2 =	sld [smem:$0x3F9C];
	s0 =	simm.s32 @p1 $0x1  }
0x15: {  	[smem:$0x3FB9] =	sst s0;
	s0 =	simm.s32 @!p2 $0x0  }
0x16: {  	s3 =	sld [smem:$0x3FDB];
	s0 =	simm.s32 @p2 $0x1  }
0x17: {  	s4 =	simm.s32 $0x1BF5;
	[smem:$0x3FBB] =	sst s0  }
0x18: {  	s0 =	sld [smem:$0x3F9E];
	_ =	swait.ge [sflag:s4], $0x0  }
0x19: {  	s7 =	sld [smem:$0x3F9F]  }
0x1a: {  	s8 =	sadd.s32 $0xFFFFE003, lr  }
0x1b: {  	s9 =	sadd.s32 $0xFFFFFEF7, lr;
	s5 =	simm.s32 $0xFFFFFFFF;
	p2 =	slt.u32 s8, $0xFFFFF086  }
0x1c: {  	p1 =	slt.u32 s9, $0xF7A;
	s5 =	simm.s32 @!p2 $0x0  }
0x1d: {  	s5 =	simm.s32 @p1 $0x1;
	p0 =	seq.s32 s7, s2  }
0x1e: {  	s7 =	smul.u32 @!p0 $0xF7A, s2;
	p2 =	seq.s32 @!p0 s5, $0x0  }
0x1f: {  	s9 =	smul.u32 $0xF7A, s1;
	s8 =	simm.s32 @!p0 $0x1BF5;
	p2 =	por !p2, p0  }
0x20: {  	[sflag:s8] =	ssyncset.s32 @!p0 $0xFFFFF086;
	s6 =	sadd.s32 @!p0 s3, s7;
	s7 =	simm.s32 @!p0 $0x108  }
0x21: {  	s3 =	sadd.s32 s3, s9;
	s6 =	sadd.s32 @!p0 $0x88, s6;
	s7 =	simm.s32 @p2 $0x1082  }
0x22: {  	[simem:s7], [sflag:s8] =	dma.local @!p0 [hbm:s6], $0xF7A  }
0x23: {  	s9 =	sor.u32 $0xD0000000, s2;
	s6 =	simm.s32 $0x108;
	_ =	swait.ge @!p0 [sflag:s8], $0x0  }
0x24: {  	s3 =	sadd.s32 $0x88, s3;
	s6 =	simm.s32 @!p1 $0x1082;
	[sflag:s4] =	ssyncset.s32 $0xFFFFF086  }
0x25: {  	[simem:s6], [sflag:s4] =	dma.local [hbm:s3], $0xF7A  }
0x26: {  	[smem:$0x3F9F] =	sst s1;
	(tag) =	ssettag s2;
	_ =	strace s9  }
0x27: {  	s1 =	sld [smem:$0x3FAF]  }
0x28: {  	s2 =	sld [smem:$0x3FB0]  }
0x29: {  	s4 =	sld [smem:$0x3FB2]  }
0x2a: {  	p0 =	seq.s32 s5, $0x0;
	s5 =	sld [smem:$0x3FB3]  }
0x2b: {  	s6 =	sld [smem:$0x3FB4]  }
0x2c: {  	s7 =	sld [smem:$0x3FB5]  }
0x2d: {  	s3 =	simm.s32 $0x108;
	s8 =	sld [smem:$0x3FB6]  }
0x2e: {  	s3 =	simm.s32 @!p0 $0x1082;
	s9 =	sld [smem:$0x3FB7]  }
0x2f: {  	lr =	sadd.s32 s0, s3;
	s0 =	sld [smem:$0x3FAE]  }
0x30: {  	s3 =	sld [smem:$0x3FB1]  }
0x31: {  	[smem:$0x3FBA] =	sst s10  }
0x32: {  	s10 =	sld [smem:$0x3FB8];
	_ =	sdelay $0x3  }
0x33: {  	p0 =	seq.s32 s10, $0x1;
	s10 =	sld [smem:$0x3FBA];
	_ =	sdelay $0x3  }
0x34: {  	[smem:$0x3FBA] =	sst s10  }
0x35: {  	s10 =	sld [smem:$0x3FB9];
	_ =	sdelay $0x3  }
0x36: {  	p1 =	seq.s32 s10, $0x1;
	s10 =	sld [smem:$0x3FBA];
	_ =	sdelay $0x3  }
0x37: {  	[smem:$0x3FBA] =	sst s10  }
0x38: {  	s10 =	sld [smem:$0x3FBB]  }
0x39: {  	_ = 	snop;
	(pc) =	sbr.ind lr, $3  }
0x3a: {  	_ = 	snop  }
0x3b: {  	_ = 	snop  }
0x3c: {  	p2 =	seq.s32 s10, $0x1;
	s10 =	sld [smem:$0x3FBA]  }
0x3d: {  	_ =	shalt  }
0x3e: {  	_ =	shalt  }
0x3f: {  	_ =	shalt  }
0x40: {  	_ =	shalt  }
0x41: {  	_ =	shalt  }
0x42: {  	_ =	shalt  }
0x43: {  	_ =	shalt  }
0x44: {  	_ =	shalt  }
0x45: {  	_ =	shalt  }
0x46: {  	_ =	shalt  }
0x47: {  	_ =	shalt  }
0x48: {  	_ =	shalt  }
0x49: {  	_ =	shalt  }
0x4a: {  	_ =	shalt  }
0x4b: {  	_ =	shalt  }
0x4c: {  	_ =	shalt  }
0x4d: {  	_ =	shalt  }
0x4e: {  	_ =	shalt  }
0x4f: {  	_ =	shalt  }
0x50: {  	_ =	shalt  }
0x51: {  	_ =	shalt  }
0x52: {  	_ =	shalt  }
0x53: {  	_ =	shalt  }
0x54: {  	_ =	shalt  }
0x55: {  	_ =	shalt  }
0x56: {  	_ =	shalt  }
0x57: {  	_ =	shalt  }
0x58: {  	_ =	shalt  }
0x59: {  	_ =	shalt  }
0x5a: {  	_ =	shalt  }
0x5b: {  	_ =	shalt  }
0x5c: {  	_ =	shalt  }
0x5d: {  	_ =	shalt  }
0x5e: {  	_ =	shalt  }
0x5f: {  	_ =	shalt  }
0x60: {  	_ =	shalt  }
0x61: {  	_ =	shalt  }
0x62: {  	_ =	shalt  }
0x63: {  	_ =	shalt  }
0x64: {  	_ =	shalt  }
0x65: {  	_ =	shalt  }
0x66: {  	_ =	shalt  }
0x67: {  	_ =	shalt  }
0x68: {  	_ =	shalt  }
0x69: {  	_ =	shalt  }
0x6a: {  	_ =	shalt  }
0x6b: {  	_ =	shalt  }
0x6c: {  	_ =	shalt  }
0x6d: {  	_ =	shalt  }
0x6e: {  	_ =	shalt  }
0x6f: {  	_ =	shalt  }
0x70: {  	_ =	shalt  }
0x71: {  	_ =	shalt  }
0x72: {  	_ =	shalt  }
0x73: {  	_ =	shalt  }
0x74: {  	_ =	shalt  }
0x75: {  	_ =	shalt  }
0x76: {  	_ =	shalt  }
0x77: {  	_ =	shalt  }
0x78: {  	_ =	shalt  }
0x79: {  	_ =	shalt  }
0x7a: {  	_ =	shalt  }
0x7b: {  	_ =	shalt  }
0x7c: {  	_ =	shalt  }
0x7d: {  	_ =	shalt  }
0x7e: {  	_ =	shalt  }
0x7f: {  	_ =	shalt  }
0x80: {  	_ =	shalt  }
0x81: {  	_ =	shalt  }
0x82: {  	_ =	shalt  }
0x83: {  	_ =	shalt  }
0x84: {  	_ =	shalt  }
0x85: {  	_ =	shalt  }
0x86: {  	_ =	shalt  }
0x87: {  	_ =	shalt  }
.Lfunc_end0:
.L_simem_size_0:
called_computation_lowered:
.L_overlay_start_0:
0x88: {  	s2 =	sld [smem:$0x3FD9]  }
0x89: {  	s3 =	sld [smem:$0x3FFE];
	_ =	sdelay $0x1  }
0x8a: {  	s1 =	srdreg.scid  }
0x8b: {  	s0 =	sand.u32 $0x1, s1  }
0x8c: {  	s14 =	sshll.u32 s0, $0xA;
	s2 =	sadd.s32 s3, s2  }
0x8d: {  	s2 =	sadd.s32 s2, s14  }
0x8e: {  	[smem:$0x3FC6] =	sst s2  }
0x8f: {  	_ = 	snop  }
0x90: {  	s2 =	sld [smem:$0x3FD0];
	_ =	sdelay $0x2  }
0x91: {  	s15 =	simm.s32 $0xA;
	s4 =	simm.s32 $0x10  }
0x92: {  	[smem:s4], [sflag:s15] =	dma.local [hbm:s2], $0x1  }
0x93: {  	_ =	swait.eq [sflag:s15], $0x1  }
0x94: {  	[sflag:s15] =	ssyncset.done $0x0  }
0x95: {  	[sflag:s15] =	ssyncadd.s32 $0xFFFFFFFF  }
0x96: {  	s16 =	sld [smem:$0x10];
	(tm) =	ssettm $0x1  }
0x97: {  	s17 =	sld [smem:$0x3FFB];
	_ =	sdelay $0x3  }
0x98: {  	_ =	strace s17  }
0x99: {  	s3 =	sld [smem:$0x3FFC];
	_ =	sdelay $0x3  }
0x9a: {  	_ =	strace s3  }
0x9b: {  	s3 =	sld [smem:$0x3FFD];
	_ =	sdelay $0x3  }
0x9c: {  	_ =	strace s3  }
0x9d: {  	_ =	strace $0x8FFFFFFF  }
0x9e: {  	s18 =	sld [smem:$0x3FDB];
	_ =	sdelay $0x1  }
0x9f: {  	s19 =	simm.s32 $_scs_section_size  }
0xa0: {  	s5 =	simm.s32 $_size__tile_overlayer_lowered;
	s6 =	simm.s32 $_tile_overlayer_lowered  }
0xa1: {  	s22 =	simm.s32 $0x1BFF;
	s21 =	sshll.u32 s6, $0x1;
	s3 =	sadd.s32 s19, s18  }
0xa2: {  	s7 =	simm.s32 $0x0;
	s20 =	sshll.u32 s5, $0x1;
	s5 =	sadd.s32 s21, s3  }
0xa3: {  	[timem:s7], [sflag:s22] =	dma.local [hbm:s5], s20  }
0xa4: {  	_ =	swait.ge [sflag:s22], s20  }
0xa5: {  	s4 =	ssub.s32 $0x0, s20;
	[sflag:s22] =	ssyncset.done $0x0  }
0xa6: {  	[sflag:s22] =	ssyncadd.s32 s4;
	_ =	sdelay $0x1  }
0xa7: {  	s23 =	simm.s32 $0x1B8B  }
0xa8: {  	_ =	swait.ge [sflag:s23], $0x1  }
0xa9: {  	[sflag:s23] =	ssyncset.done $0x0  }
0xaa: {  	s25 =	simm.s32 $0x1B8E;
	s24 =	sld [smem:$0x3FFE];
	[sflag:s23] =	ssyncadd.s32 $0xFFFFFFFF  }
0xab: {  	s26 =	simm.s32 $execute0_lowered;
	[smem:$0x3FD2] =	sst s25  }
0xac: {  	s5 =	sshll.u32 s26, $0x1;
	_ =	strace $0x80000046;
	[dreg:$0x1] =	wrdreg $0xFFFFFFFF  }
0xad: {  	s28 =	simm.s32 $_size_execute0_lowered;
	s3 =	sadd.s32 s3, s5;
	[dreg:$0x0] =	wrdreg $0x0  }
0xae: {  	s5 =	sshll.u32 s28, $0x1;
	[dreg:$0x2] =	wrdreg s3  }
0xaf: {  	[dreg:$0x3] =	wrdreg s5  }
0xb0: {  	[dreg:$0x4] =	wrdreg $0xC0  }
0xb1: {  	_ =	task [dreg:s7], $0x5FFFF  }
0xb2: {  	[dreg:$0x1] =	wrdreg $0xFFFFFFFF  }
0xb3: {  	[dreg:$0x0] =	wrdreg $0x60  }
0xb4: {  	[dreg:$0x2] =	wrdreg s24  }
0xb5: {  	[dreg:$0x3] =	wrdreg s16  }
0xb6: {  	[dreg:$0x4] =	wrdreg $0x9  }
0xb7: {  	_ =	task.clear_ibuf [dreg:s7], $0x5FFFF;
	_ =	strace $0x90000046  }
0xb8: {  	s29 =	simm.s32 $0x9;
	_ =	strace $0x80000048  }
0xb9: {  	_ =	swait.ge [sflag:s29], $0x1  }
0xba: {  	[sflag:s29] =	ssyncadd.s32 $0xFFFFFFFF  }
0xbb: {  	_ =	strace $0x90000048  }
0xbc: {  	_ =	sfence  }
0xbd: {  	s30 =	sld [smem:$0x0];
	_ =	sdelay $0x2  }
0xbe: {  	s31 =	sshll.u32 s1, $0xD;
	s1 =	sshrl.u32 s1, $0x2  }
0xbf: {  	s3 =	sand.u32 $0x4000, s31;
	s1 =	sadd.s32 s1, s30  }
0xc0: {  	s0 =	sor.u32 s3, s0;
	s1 =	sshll.u32 s1, $0x11  }
0xc1: {  	s0 =	sor.u32 s1, s0  }
0xc2: {  	s0 =	sadd.s32 $0x8F2B, s0  }
0xc3: {  	[sflag:s0] =	ssyncadd.remote.s32 $0x1  }
0xc4: {  	_ =	sfence.sel $0xFFFF  }
0xc5: {  	[dreg:$0x0] =	wrdreg $0xFFFFFFFF;
	(pc) =	sbr.abs _section_cstart, $3  }
0xc6: {  	[dreg:$0x1] =	wrdreg $0xFFFFFFFF  }
0xc7: {  	_ =	task.clear_ibuf [dreg:s7], $0x2FFFF;
	_ =	strace $0x9FFFFFFF  }
0xc8: {  	(tm) =	ssettm $0x7FFFFFFF  }
0xc9: {  	_ =	shalt  }
tec
execute0_lowered:
.L_overlay_start_1:
0x0: {  	(tag) =	ssettag $0x1  }
0x1: {  	s1 =	srdreg.scid  }
0x2: {  	s5 =	rddreg [dreg:$0x0];
	s0 =	stileid.u32;
	s23 =	sand.u32 $0x1, s1  }
0x3: {  	s21 =	rddreg [dreg:$0x1];
	s3 =	sshll.u32 s0, $0xA;
	s4 =	sshll.u32 s23, $0x9  }
0x4: {  	s2 =	simm.s32 $0x0;
	s1 =	rddreg [dreg:$0x2];
	s10 =	sor.u32 s4, s3  }
0x5: {  	[smem:$0x7FF] =	sst s2;
	s11 =	sadd.s32 $0x4600, s5;
	s3 =	sshrl.u32 s10, $0x3  }
0x6: {  	_ =	strace $0x80000047;
	s4 =	sadd.s32 s11, s3;
	s3 =	simm.s32 $0x2  }
0x7: {  	[tilespmem:s2], [sflag:$0x2] =	stream.linear.gather [hbm4b:s4+s2], $0x100, $0x38;
	[tilespmem:$0x4100] =	vst v63  }
0x8: {  	_ =	swait.ge [sflag:s3], $0x100  }
0x9: {  	s6 =	simm.s32 $0x100;
	[sflag:s3] =	ssyncset.done $0x0  }
0xa: {  	s7 =	simm.s32 $0x1;
	s5 =	sadd.s32 $0x600, s5;
	[sflag:s3] =	ssyncadd.s32 $0xFFFFFF00  }
0xb: {  	[tilespmem:s6], [sflag:$0x1] =	stream.indirect.gather [hbm4b:s5+s6], $0x40, s2, s6, $0xb8;
	[tilespmem:$0x4100] =	vst v63  }
0xc: {  	_ =	swait.ge [sflag:s7], $0x4000  }
0xd: {  	s22 =	sshll.u32 s10, $0x5;
	[sflag:s7] =	ssyncset.done $0x0  }
0xe: {  	s9 =	simm.s32 $0x40;
	s8 =	sadd.s32 s21, s22;
	[sflag:s7] =	ssyncadd.s32 $0xFFFFC000  }
0xf: {  	[hbm4b:s8+s9] =	stream.strided.scatter [tilespmem:s6], [sflag:$0x2], $0x4000, s6, s9, $0x38;
	[tilespmem:$0x4100] =	vst v63  }
0x10: {  	s12 =	sor.u32 $0x100, s10;
	_ =	swait.ge [sflag:s3], $0x4000  }
0x11: {  	s10 =	sshrl.u32 s12, $0x3;
	[sflag:s3] =	ssyncset.done $0x0  }
0x12: {  	s10 =	sadd.s32 s11, s10;
	[sflag:s3] =	ssyncadd.s32 $0xFFFFC000  }
0x13: {  	[tilespmem:s2], [sflag:$0x2] =	stream.linear.gather [hbm4b:s10+s2], $0x100, $0x38;
	[tilespmem:$0x4100] =	vst v63  }
0x14: {  	_ =	swait.ge [sflag:s3], $0x100  }
0x15: {  	[sflag:s3] =	ssyncset.done $0x0  }
0x16: {  	[sflag:s3] =	ssyncadd.s32 $0xFFFFFF00  }
0x17: {  	[tilespmem:s6], [sflag:$0x1] =	stream.indirect.gather [hbm4b:s5+s6], $0x40, s2, s6, $0xb8;
	[tilespmem:$0x4100] =	vst v63  }
0x18: {  	_ =	swait.ge [sflag:s7], $0x4000  }
0x19: {  	s24 =	sshll.u32 s12, $0x5;
	[sflag:s7] =	ssyncset.done $0x0  }
0x1a: {  	s11 =	sadd.s32 s21, s24;
	[sflag:s7] =	ssyncadd.s32 $0xFFFFC000  }
0x1b: {  	[hbm4b:s11+s9] =	stream.strided.scatter [tilespmem:s6], [sflag:$0x2], $0x4000, s6, s9, $0x38;
	[tilespmem:$0x4100] =	vst v63  }
0x1c: {  	_ =	swait.ge [sflag:s3], $0x4000  }
0x1d: {  	[sflag:s3] =	ssyncset.done $0x0  }
0x1e: {  	s12 =	sadd.s32 $0x800, s4;
	[sflag:s3] =	ssyncadd.s32 $0xFFFFC000  }
0x1f: {  	[tilespmem:s2], [sflag:$0x2] =	stream.linear.gather [hbm4b:s12+s2], $0x100, $0x38;
	[tilespmem:$0x4100] =	vst v63  }
0x20: {  	_ =	swait.ge [sflag:s3], $0x100  }
0x21: {  	[sflag:s3] =	ssyncset.done $0x0  }
0x22: {  	[sflag:s3] =	ssyncadd.s32 $0xFFFFFF00  }
0x23: {  	[tilespmem:s6], [sflag:$0x1] =	stream.indirect.gather [hbm4b:s5+s6], $0x40, s2, s6, $0xb8;
	[tilespmem:$0x4100] =	vst v63  }
0x24: {  	_ =	swait.ge [sflag:s7], $0x4000  }
0x25: {  	s15 =	sadd.s32 $0x8, s21;
	[sflag:s7] =	ssyncset.done $0x0  }
0x26: {  	s13 =	sadd.s32 s22, s15;
	[sflag:s7] =	ssyncadd.s32 $0xFFFFC000  }
0x27: {  	[hbm4b:s13+s9] =	stream.strided.scatter [tilespmem:s6], [sflag:$0x2], $0x4000, s6, s9, $0x38;
	[tilespmem:$0x4100] =	vst v63  }
0x28: {  	_ =	swait.ge [sflag:s3], $0x4000  }
0x29: {  	[sflag:s3] =	ssyncset.done $0x0  }
0x2a: {  	s14 =	sadd.s32 $0x820, s4;
	[sflag:s3] =	ssyncadd.s32 $0xFFFFC000  }
0x2b: {  	[tilespmem:s2], [sflag:$0x2] =	stream.linear.gather [hbm4b:s14+s2], $0x100, $0x38;
	[tilespmem:$0x4100] =	vst v63  }
0x2c: {  	_ =	swait.ge [sflag:s3], $0x100  }
0x2d: {  	[sflag:s3] =	ssyncset.done $0x0  }
0x2e: {  	[sflag:s3] =	ssyncadd.s32 $0xFFFFFF00  }
0x2f: {  	[tilespmem:s6], [sflag:$0x1] =	stream.indirect.gather [hbm4b:s5+s6], $0x40, s2, s6, $0xb8;
	[tilespmem:$0x4100] =	vst v63  }
0x30: {  	_ =	swait.ge [sflag:s7], $0x4000  }
0x31: {  	[sflag:s7] =	ssyncset.done $0x0  }
0x32: {  	s15 =	sadd.s32 s24, s15;
	[sflag:s7] =	ssyncadd.s32 $0xFFFFC000  }
0x33: {  	[hbm4b:s15+s9] =	stream.strided.scatter [tilespmem:s6], [sflag:$0x2], $0x4000, s6, s9, $0x38;
	[tilespmem:$0x4100] =	vst v63  }
0x34: {  	_ =	swait.ge [sflag:s3], $0x4000  }
0x35: {  	[sflag:s3] =	ssyncset.done $0x0  }
0x36: {  	s16 =	sadd.s32 $0x1000, s4;
	[sflag:s3] =	ssyncadd.s32 $0xFFFFC000  }
0x37: {  	[tilespmem:s2], [sflag:$0x2] =	stream.linear.gather [hbm4b:s16+s2], $0x100, $0x38;
	[tilespmem:$0x4100] =	vst v63  }
0x38: {  	_ =	swait.ge [sflag:s3], $0x100  }
0x39: {  	[sflag:s3] =	ssyncset.done $0x0  }
0x3a: {  	[sflag:s3] =	ssyncadd.s32 $0xFFFFFF00  }
0x3b: {  	[tilespmem:s6], [sflag:$0x1] =	stream.indirect.gather [hbm4b:s5+s6], $0x40, s2, s6, $0xb8;
	[tilespmem:$0x4100] =	vst v63  }
0x3c: {  	_ =	swait.ge [sflag:s7], $0x4000  }
0x3d: {  	s19 =	sadd.s32 $0x10, s21;
	[sflag:s7] =	ssyncset.done $0x0  }
0x3e: {  	s17 =	sadd.s32 s22, s19;
	[sflag:s7] =	ssyncadd.s32 $0xFFFFC000  }
0x3f: {  	[hbm4b:s17+s9] =	stream.strided.scatter [tilespmem:s6], [sflag:$0x2], $0x4000, s6, s9, $0x38;
	[tilespmem:$0x4100] =	vst v63  }
0x40: {  	_ =	swait.ge [sflag:s3], $0x4000  }
0x41: {  	[sflag:s3] =	ssyncset.done $0x0  }
0x42: {  	s18 =	sadd.s32 $0x1020, s4;
	[sflag:s3] =	ssyncadd.s32 $0xFFFFC000  }
0x43: {  	[tilespmem:s2], [sflag:$0x2] =	stream.linear.gather [hbm4b:s18+s2], $0x100, $0x38;
	[tilespmem:$0x4100] =	vst v63  }
0x44: {  	_ =	swait.ge [sflag:s3], $0x100  }
0x45: {  	[sflag:s3] =	ssyncset.done $0x0  }
0x46: {  	[sflag:s3] =	ssyncadd.s32 $0xFFFFFF00  }
0x47: {  	[tilespmem:s6], [sflag:$0x1] =	stream.indirect.gather [hbm4b:s5+s6], $0x40, s2, s6, $0xb8;
	[tilespmem:$0x4100] =	vst v63  }
0x48: {  	_ =	swait.ge [sflag:s7], $0x4000  }
0x49: {  	[sflag:s7] =	ssyncset.done $0x0  }
0x4a: {  	s19 =	sadd.s32 s24, s19;
	[sflag:s7] =	ssyncadd.s32 $0xFFFFC000  }
0x4b: {  	[hbm4b:s19+s9] =	stream.strided.scatter [tilespmem:s6], [sflag:$0x2], $0x4000, s6, s9, $0x38;
	[tilespmem:$0x4100] =	vst v63  }
0x4c: {  	_ =	swait.ge [sflag:s3], $0x4000  }
0x4d: {  	[sflag:s3] =	ssyncset.done $0x0  }
0x4e: {  	s20 =	sadd.s32 $0x1800, s4;
	[sflag:s3] =	ssyncadd.s32 $0xFFFFC000  }
0x4f: {  	[tilespmem:s2], [sflag:$0x2] =	stream.linear.gather [hbm4b:s20+s2], $0x100, $0x38;
	[tilespmem:$0x4100] =	vst v63  }
0x50: {  	_ =	swait.ge [sflag:s3], $0x100  }
0x51: {  	[sflag:s3] =	ssyncset.done $0x0  }
0x52: {  	[sflag:s3] =	ssyncadd.s32 $0xFFFFFF00  }
0x53: {  	[tilespmem:s6], [sflag:$0x1] =	stream.indirect.gather [hbm4b:s5+s6], $0x40, s2, s6, $0xb8;
	[tilespmem:$0x4100] =	vst v63  }
0x54: {  	_ =	swait.ge [sflag:s7], $0x4000  }
0x55: {  	s25 =	sadd.s32 $0x18, s21;
	[sflag:s7] =	ssyncset.done $0x0  }
0x56: {  	s21 =	sadd.s32 s22, s25;
	[sflag:s7] =	ssyncadd.s32 $0xFFFFC000  }
0x57: {  	[hbm4b:s21+s9] =	stream.strided.scatter [tilespmem:s6], [sflag:$0x2], $0x4000, s6, s9, $0x38;
	[tilespmem:$0x4100] =	vst v63  }
0x58: {  	_ =	swait.ge [sflag:s3], $0x4000  }
0x59: {  	[sflag:s3] =	ssyncset.done $0x0  }
0x5a: {  	s23 =	ssub.s32 $0x2, s23;
	s22 =	sadd.s32 $0x1820, s4;
	[sflag:s3] =	ssyncadd.s32 $0xFFFFC000  }
0x5b: {  	[tilespmem:s2], [sflag:$0x2] =	stream.linear.gather [hbm4b:s22+s2], $0x100, $0x38;
	[tilespmem:$0x4100] =	vst v63  }
0x5c: {  	s26 =	sshrl.u32 s23, $0x1;
	_ =	swait.ge [sflag:s3], $0x100  }
0x5d: {  	s26 =	ssub.s32 s23, s26;
	[sflag:s3] =	ssyncset.done $0x0  }
0x5e: {  	s31 =	smax.u32 s26, $0x1;
	[sflag:s3] =	ssyncadd.s32 $0xFFFFFF00  }
0x5f: {  	[tilespmem:s6], [sflag:$0x1] =	stream.indirect.gather [hbm4b:s5+s6], $0x40, s2, s6, $0xb8;
	[tilespmem:$0x4100] =	vst v63  }
0x60: {  	p0 =	sne.s32 s31, $0x1;
	_ =	swait.ge [sflag:s7], $0x4000  }
.Ltmp0:
0x61: {  	[sflag:s7] =	ssyncset.done $0x0;
	(pc) =	sbr.rel @!p0 .LBB2_2-.Ltmp0, $4  }
0x62: {  	s23 =	sadd.s32 s24, s25;
	[sflag:s7] =	ssyncadd.s32 $0xFFFFC000  }
0x63: {  	[hbm4b:s23+s9] =	stream.strided.scatter [tilespmem:s6], [sflag:$0x2], $0x4000, s6, s9, $0x38;
	[tilespmem:$0x4100] =	vst v63  }
0x64: {  	_ =	swait.ge [sflag:s3], $0x4000  }
0x65: {  	s24 =	sadd.s32 $0xFFFFFFFF, s31;
	[sflag:s3] =	ssyncset.done $0x0  }
.LBB2_1:
0x66: {  	p0 =	sne.s32 s24, $0x1;
	s24 =	sadd.s32 $0xFFFFFFFF, s24;
	[sflag:s3] =	ssyncadd.s32 $0xFFFFC000  }
0x67: {  	[tilespmem:s2], [sflag:$0x2] =	stream.linear.gather [hbm4b:s4+s2], $0x100, $0x38;
	[tilespmem:$0x4100] =	vst v63  }
0x68: {  	_ =	swait.ge [sflag:s3], $0x100  }
0x69: {  	[sflag:s3] =	ssyncset.done $0x0  }
0x6a: {  	[sflag:s3] =	ssyncadd.s32 $0xFFFFFF00  }
0x6b: {  	[tilespmem:s6], [sflag:$0x1] =	stream.indirect.gather [hbm4b:s5+s6], $0x40, s2, s6, $0xb8;
	[tilespmem:$0x4100] =	vst v63  }
0x6c: {  	_ =	swait.ge [sflag:s7], $0x4000  }
0x6d: {  	[sflag:s7] =	ssyncset.done $0x0  }
0x6e: {  	[sflag:s7] =	ssyncadd.s32 $0xFFFFC000  }
0x6f: {  	[hbm4b:s8+s9] =	stream.strided.scatter [tilespmem:s6], [sflag:$0x2], $0x4000, s6, s9, $0x38;
	[tilespmem:$0x4100] =	vst v63  }
0x70: {  	_ =	swait.ge [sflag:s3], $0x4000  }
0x71: {  	[sflag:s3] =	ssyncset.done $0x0  }
0x72: {  	[sflag:s3] =	ssyncadd.s32 $0xFFFFC000  }
0x73: {  	[tilespmem:s2], [sflag:$0x2] =	stream.linear.gather [hbm4b:s10+s2], $0x100, $0x38;
	[tilespmem:$0x4100] =	vst v63  }
0x74: {  	_ =	swait.ge [sflag:s3], $0x100  }
0x75: {  	[sflag:s3] =	ssyncset.done $0x0  }
0x76: {  	[sflag:s3] =	ssyncadd.s32 $0xFFFFFF00  }
0x77: {  	[tilespmem:s6], [sflag:$0x1] =	stream.indirect.gather [hbm4b:s5+s6], $0x40, s2, s6, $0xb8;
	[tilespmem:$0x4100] =	vst v63  }
0x78: {  	_ =	swait.ge [sflag:s7], $0x4000  }
0x79: {  	[sflag:s7] =	ssyncset.done $0x0  }
0x7a: {  	[sflag:s7] =	ssyncadd.s32 $0xFFFFC000  }
0x7b: {  	[hbm4b:s11+s9] =	stream.strided.scatter [tilespmem:s6], [sflag:$0x2], $0x4000, s6, s9, $0x38;
	[tilespmem:$0x4100] =	vst v63  }
0x7c: {  	_ =	swait.ge [sflag:s3], $0x4000  }
0x7d: {  	[sflag:s3] =	ssyncset.done $0x0  }
0x7e: {  	[sflag:s3] =	ssyncadd.s32 $0xFFFFC000  }
0x7f: {  	[tilespmem:s2], [sflag:$0x2] =	stream.linear.gather [hbm4b:s12+s2], $0x100, $0x38;
	[tilespmem:$0x4100] =	vst v63  }
0x80: {  	_ =	swait.ge [sflag:s3], $0x100  }
0x81: {  	[sflag:s3] =	ssyncset.done $0x0  }
0x82: {  	[sflag:s3] =	ssyncadd.s32 $0xFFFFFF00  }
0x83: {  	[tilespmem:s6], [sflag:$0x1] =	stream.indirect.gather [hbm4b:s5+s6], $0x40, s2, s6, $0xb8;
	[tilespmem:$0x4100] =	vst v63  }
0x84: {  	_ =	swait.ge [sflag:s7], $0x4000  }
0x85: {  	[sflag:s7] =	ssyncset.done $0x0  }
0x86: {  	[sflag:s7] =	ssyncadd.s32 $0xFFFFC000  }
0x87: {  	[hbm4b:s13+s9] =	stream.strided.scatter [tilespmem:s6], [sflag:$0x2], $0x4000, s6, s9, $0x38;
	[tilespmem:$0x4100] =	vst v63  }
0x88: {  	_ =	swait.ge [sflag:s3], $0x4000  }
0x89: {  	[sflag:s3] =	ssyncset.done $0x0  }
0x8a: {  	[sflag:s3] =	ssyncadd.s32 $0xFFFFC000  }
0x8b: {  	[tilespmem:s2], [sflag:$0x2] =	stream.linear.gather [hbm4b:s14+s2], $0x100, $0x38;
	[tilespmem:$0x4100] =	vst v63  }
0x8c: {  	_ =	swait.ge [sflag:s3], $0x100  }
0x8d: {  	[sflag:s3] =	ssyncset.done $0x0  }
0x8e: {  	[sflag:s3] =	ssyncadd.s32 $0xFFFFFF00  }
0x8f: {  	[tilespmem:s6], [sflag:$0x1] =	stream.indirect.gather [hbm4b:s5+s6], $0x40, s2, s6, $0xb8;
	[tilespmem:$0x4100] =	vst v63  }
0x90: {  	_ =	swait.ge [sflag:s7], $0x4000  }
0x91: {  	[sflag:s7] =	ssyncset.done $0x0  }
0x92: {  	[sflag:s7] =	ssyncadd.s32 $0xFFFFC000  }
0x93: {  	[hbm4b:s15+s9] =	stream.strided.scatter [tilespmem:s6], [sflag:$0x2], $0x4000, s6, s9, $0x38;
	[tilespmem:$0x4100] =	vst v63  }
0x94: {  	_ =	swait.ge [sflag:s3], $0x4000  }
0x95: {  	[sflag:s3] =	ssyncset.done $0x0  }
0x96: {  	[sflag:s3] =	ssyncadd.s32 $0xFFFFC000  }
0x97: {  	[tilespmem:s2], [sflag:$0x2] =	stream.linear.gather [hbm4b:s16+s2], $0x100, $0x38;
	[tilespmem:$0x4100] =	vst v63  }
0x98: {  	_ =	swait.ge [sflag:s3], $0x100  }
0x99: {  	[sflag:s3] =	ssyncset.done $0x0  }
0x9a: {  	[sflag:s3] =	ssyncadd.s32 $0xFFFFFF00  }
0x9b: {  	[tilespmem:s6], [sflag:$0x1] =	stream.indirect.gather [hbm4b:s5+s6], $0x40, s2, s6, $0xb8;
	[tilespmem:$0x4100] =	vst v63  }
0x9c: {  	_ =	swait.ge [sflag:s7], $0x4000  }
0x9d: {  	[sflag:s7] =	ssyncset.done $0x0  }
0x9e: {  	[sflag:s7] =	ssyncadd.s32 $0xFFFFC000  }
0x9f: {  	[hbm4b:s17+s9] =	stream.strided.scatter [tilespmem:s6], [sflag:$0x2], $0x4000, s6, s9, $0x38;
	[tilespmem:$0x4100] =	vst v63  }
0xa0: {  	_ =	swait.ge [sflag:s3], $0x4000  }
0xa1: {  	[sflag:s3] =	ssyncset.done $0x0  }
0xa2: {  	[sflag:s3] =	ssyncadd.s32 $0xFFFFC000  }
0xa3: {  	[tilespmem:s2], [sflag:$0x2] =	stream.linear.gather [hbm4b:s18+s2], $0x100, $0x38;
	[tilespmem:$0x4100] =	vst v63  }
0xa4: {  	_ =	swait.ge [sflag:s3], $0x100  }
0xa5: {  	[sflag:s3] =	ssyncset.done $0x0  }
0xa6: {  	[sflag:s3] =	ssyncadd.s32 $0xFFFFFF00  }
0xa7: {  	[tilespmem:s6], [sflag:$0x1] =	stream.indirect.gather [hbm4b:s5+s6], $0x40, s2, s6, $0xb8;
	[tilespmem:$0x4100] =	vst v63  }
0xa8: {  	_ =	swait.ge [sflag:s7], $0x4000  }
0xa9: {  	[sflag:s7] =	ssyncset.done $0x0  }
0xaa: {  	[sflag:s7] =	ssyncadd.s32 $0xFFFFC000  }
0xab: {  	[hbm4b:s19+s9] =	stream.strided.scatter [tilespmem:s6], [sflag:$0x2], $0x4000, s6, s9, $0x38;
	[tilespmem:$0x4100] =	vst v63  }
0xac: {  	_ =	swait.ge [sflag:s3], $0x4000  }
0xad: {  	[sflag:s3] =	ssyncset.done $0x0  }
0xae: {  	[sflag:s3] =	ssyncadd.s32 $0xFFFFC000  }
0xaf: {  	[tilespmem:s2], [sflag:$0x2] =	stream.linear.gather [hbm4b:s20+s2], $0x100, $0x38;
	[tilespmem:$0x4100] =	vst v63  }
0xb0: {  	_ =	swait.ge [sflag:s3], $0x100  }
0xb1: {  	[sflag:s3] =	ssyncset.done $0x0  }
0xb2: {  	[sflag:s3] =	ssyncadd.s32 $0xFFFFFF00  }
0xb3: {  	[tilespmem:s6], [sflag:$0x1] =	stream.indirect.gather [hbm4b:s5+s6], $0x40, s2, s6, $0xb8;
	[tilespmem:$0x4100] =	vst v63  }
0xb4: {  	_ =	swait.ge [sflag:s7], $0x4000  }
0xb5: {  	[sflag:s7] =	ssyncset.done $0x0  }
0xb6: {  	[sflag:s7] =	ssyncadd.s32 $0xFFFFC000  }
0xb7: {  	[hbm4b:s21+s9] =	stream.strided.scatter [tilespmem:s6], [sflag:$0x2], $0x4000, s6, s9, $0x38;
	[tilespmem:$0x4100] =	vst v63  }
0xb8: {  	_ =	swait.ge [sflag:s3], $0x4000  }
0xb9: {  	[sflag:s3] =	ssyncset.done $0x0  }
0xba: {  	[sflag:s3] =	ssyncadd.s32 $0xFFFFC000  }
0xbb: {  	[tilespmem:s2], [sflag:$0x2] =	stream.linear.gather [hbm4b:s22+s2], $0x100, $0x38;
	[tilespmem:$0x4100] =	vst v63  }
0xbc: {  	_ =	swait.ge [sflag:s3], $0x100  }
0xbd: {  	[sflag:s3] =	ssyncset.done $0x0  }
0xbe: {  	[sflag:s3] =	ssyncadd.s32 $0xFFFFFF00  }
0xbf: {  	[tilespmem:s6], [sflag:$0x1] =	stream.indirect.gather [hbm4b:s5+s6], $0x40, s2, s6, $0xb8;
	[tilespmem:$0x4100] =	vst v63  }
0xc0: {  	_ =	swait.ge [sflag:s7], $0x4000  }
.Ltmp1:
0xc1: {  	[sflag:s7] =	ssyncset.done $0x0;
	(pc) =	sbr.rel @p0 .LBB2_1-.Ltmp1, $4  }
0xc2: {  	[sflag:s7] =	ssyncadd.s32 $0xFFFFC000  }
0xc3: {  	[hbm4b:s23+s9] =	stream.strided.scatter [tilespmem:s6], [sflag:$0x2], $0x4000, s6, s9, $0x38;
	[tilespmem:$0x4100] =	vst v63  }
0xc4: {  	_ =	swait.ge [sflag:s3], $0x4000  }
0xc5: {  	[sflag:s3] =	ssyncset.done $0x0  }
.LBB2_2:
0xc6: {  	[sflag:s3] =	ssyncadd.s32 $0xFFFFC000  }
0xc7: {  	_ =	sfence.sel $0x180000  }
0xc8: {  	[bflag:$0x0] =	sbarrier.arrive $0xFFFF  }
0xc9: {  	p0 =	sne.s32 s0, $0x0;
	_ =	strace $0x90000047  }
0xca: {  	s0 =	sadd.s32 @!p0 $0x100000, s1;
	[bflag:$0x2] =	sbarrier.arrive $0xFFFF  }
0xcb: {  	[sflag:s0] =	ssyncadd.tile.s32 @!p0 $0x1;
	_ =	shalt  }
.Lfunc_end2:
_tile_overlayer_lowered:
.L_overlay_start_2:
0xcc: {  	(tag) =	ssettag $0x2  }
0xcd: {  	s0 =	rddreg [dreg:$0x0];
	s2 =	stileid.u32  }
0xce: {  	s1 =	rddreg [dreg:$0x1];
	p0 =	sne.s32 s2, $0x0  }
0xcf: {  	s3 =	rddreg [dreg:$0x2];
	[bflag:$0x3] =	sbarrier.arrive $0xFFFF;
	s2 =	simm.s32 @!p0 $0x1C02  }
0xd0: {  	[timem:s3], [sflag:s2] =	dma.local @!p0 [hbm:s0], s1  }
0xd1: {  	s0 =	simm.s32 @!p0 $0x2  }
0xd2: {  	_ =	swait.ge @!p0 [sflag:s0], s1  }
0xd3: {  	s1 =	ssub.s32 @!p0 $0x0, s1;
	[sflag:s0] =	ssyncset.done @!p0 $0x0  }
0xd4: {  	[sflag:s0] =	ssyncadd.s32 @!p0 s1  }
0xd5: {  	[bflag:$0x3] =	sbarrier.arrive $0xFFFF  }
0xd6: {  	_ =	shalt  }

</sc_bundles>
